<compile_context>
chip_gen: v7x
topology: tpu7x:2x2x1
jax: 0.10.2.dev20260603
libtpu: 0.0.44.dev20260713+nightly
codegen_flags: <defaults>
</compile_context>

<pallas_src>
import jax
import jax.numpy as jnp
from jax import lax
from jax.experimental import pallas as pl
from jax.experimental.pallas import tpu as pltpu
from jax.experimental.pallas import tpu_sc as plsc

NC = 2
NS = 16
NW = NC * NS

CHUNK = 128
K = 1
GROUP = CHUNK * K
NBUF = 6


def _embed_body(idx_hbm, table_hbm, out_hbm, idx_v, rows_v, gsem, wsem):
    nchunks = idx_hbm.shape[0] // NW
    ngroups = nchunks // K
    wid = lax.axis_index("s") * NC + lax.axis_index("c")
    cbase = wid * nchunks
    rbase = cbase * CHUNK

    pltpu.sync_copy(idx_hbm.at[pl.ds(cbase, nchunks)], idx_v)

    def g_copy(g, b, k):
        return (table_hbm.at[idx_v.at[g * K + k]],
                rows_v.at[pl.ds(b * GROUP + k * CHUNK, CHUNK)],
                gsem.at[b])

    def w_copy(g, b):
        return (rows_v.at[pl.ds(b * GROUP, GROUP)],
                out_hbm.at[pl.ds(rbase + g * GROUP, GROUP)],
                wsem.at[b])

    def fire_g(g, b):
        for k in range(K):
            pltpu.async_copy(*g_copy(g, b, k))

    def wait_g(g, b):
        for k in range(K):
            pltpu.make_async_copy(*g_copy(g, b, k)).wait()

    def fire_w(g, b):
        pltpu.async_copy(*w_copy(g, b))

    def wait_w(g, b):
        pltpu.make_async_copy(*w_copy(g, b)).wait()

    for j in range(NBUF - 1):
        fire_g(j, j)
    wait_g(0, 0)
    fire_w(0, 0)
    fire_g(NBUF - 1, NBUF - 1)

    def body(g):
        b = g % NBUF
        wait_g(g, b)
        fire_w(g, b)
        b2 = (g + NBUF - 1) % NBUF
        wait_w(g - 1, b2)
        fire_g(g + NBUF - 1, b2)

    pl.loop(1, ngroups - NBUF + 1)(body)

    for g in range(ngroups - NBUF + 1, ngroups):
        b = g % NBUF
        wait_g(g, b)
        fire_w(g, b)
    for g in range(ngroups - NBUF, ngroups):
        wait_w(g, g % NBUF)


def kernel(x, table):
    B, H = x.shape
    V, D = table.shape
    n = B * H
    idx2d = x.T.reshape(n // CHUNK, CHUNK)

    run = pl.kernel(
        _embed_body,
        out_type=jax.ShapeDtypeStruct((n, D), table.dtype),
        mesh=plsc.VectorSubcoreMesh(core_axis_name="c", subcore_axis_name="s"),
        scratch_types=[
            pltpu.VMEM((n // CHUNK // NW, CHUNK), jnp.int32),
            pltpu.VMEM((NBUF * GROUP, D), jnp.float32),
            pltpu.SemaphoreType.DMA((NBUF,)),
            pltpu.SemaphoreType.DMA((NBUF,)),
        ],
    )
    out = run(idx2d, table)
    return out.reshape(H, B, D).transpose(1, 0, 2)

# --- scband reference (transcript-rebuilt; emitter-appended) ---
"""Pipeline reference for scband-single-embedder-42691974922294 (READ-ONLY COPY).

The authoritative reference and input builder live on the scoring server;
editing this copy changes nothing except your own understanding.
"""

import jax, jax.numpy as jnp
import numpy as np

VOCAB = 100000
EMB_DIM = 128
PAD_IDX = 0
BATCH = 16384
HIST = 50

def setup_inputs(seed: int = 0) -> dict:
    key = jax.random.key(seed)
    k1, k2 = jax.random.split(key)
    x = jax.random.randint(k1, (BATCH, HIST), 0, VOCAB, dtype=jnp.int64 if jax.config.jax_enable_x64 else jnp.int32).astype(jnp.int32)
    bound = np.sqrt(3.0 / EMB_DIM)
    table = jax.random.uniform(k2, (VOCAB, EMB_DIM), dtype=jnp.float32, minval=-bound, maxval=bound)
    # padding_idx row is zeroed (nn.Embedding padding_idx semantics)
    table = table.at[PAD_IDX].set(0.0)
    return {"x": x, "table": table}

def reference(x, table):
    # SingleEmbedder.forward: self.embedder(x) -> embedding lookup (gather rows)
    return jnp.take(table, x, axis=0)

if __name__ == "__main__":
    import jax
    _d = setup_inputs()
    print(jax.jit(kernel)(*tuple(_d.values())))

</pallas_src>

<mosaic_0001>
#map = affine_map<(d0, d1) -> (0, 0)>
module attributes {stable_mosaic.version = 14 : i64} {
  func.func @_embed_body(%arg0: i32, %arg1: i32, %arg2: memref<6400x128xi32, #tpu.memory_space<hbm>>, %arg3: memref<100000x128xf32, #tpu.memory_space<hbm>>, %arg4: memref<819200x128xf32, #tpu.memory_space<hbm>>, %arg5: memref<200x128xi32, #tpu.memory_space<vmem>>, %arg6: memref<768x128xf32, #tpu.memory_space<vmem>>, %arg7: memref<6x!tpu.dma_semaphore, #tpu.memory_space<semaphore_mem>>, %arg8: memref<6x!tpu.dma_semaphore, #tpu.memory_space<semaphore_mem>>) attributes {dimension_semantics = [#tpu.dimension_semantics<core_parallel>, #tpu.dimension_semantics<subcore_parallel>], iteration_bounds = array<i64: 2, 16>, scalar_prefetch = 0 : i64, scratch_operands = 4 : i64, tpu.core_type = #tpu.core_type<sc_vector_subcore>, window_params = [{transform_indices = #map}, {transform_indices = #map}, {transform_indices = #map}]} {
    %mul3A = arith.constant 2 : i32
    %mul3A_0 = arith.muli %arg1, %mul3A : i32
    %add3A = arith.addi %mul3A_0, %arg0 : i32
    %mul3A_1 = arith.constant 200 : i32
    %mul3A_2 = arith.muli %add3A, %mul3A_1 : i32
    %mul3A_3 = arith.constant 128 : i32
    %mul3A_4 = arith.muli %mul3A_2, %mul3A_3 : i32
    "tpu.region"() ({
      %run_scoped3A = tpu.sem_alloc : memref<!tpu.dma_semaphore, #tpu.memory_space<semaphore_mem>>
      %dma_start3A_343 = arith.constant 0 : i32
      %dma_start3A_344 = tpu.memref_slice %arg2[%mul3A_2, %dma_start3A_343] : memref<6400x128xi32, #tpu.memory_space<hbm>> -> memref<200x128xi32, #tpu.memory_space<hbm>>
      %dma_start3A_345 = arith.constant 0 : i32
      %dma_start3A_346 = tpu.memref_slice %arg2[%mul3A_2, %dma_start3A_345] : memref<6400x128xi32, #tpu.memory_space<hbm>> -> memref<200x128xi32, #tpu.memory_space<hbm>>
      tpu.enqueue_dma source(%dma_start3A_346 : memref<200x128xi32, #tpu.memory_space<hbm>>) target(%arg5 : memref<200x128xi32, #tpu.memory_space<vmem>>) target_semaphore(%run_scoped3A : memref<!tpu.dma_semaphore, #tpu.memory_space<semaphore_mem>>)
      %dma_wait3A_347 = arith.constant 0 : i32
      %dma_wait3A_348 = tpu.memref_slice %arg2[%mul3A_2, %dma_wait3A_347] : memref<6400x128xi32, #tpu.memory_space<hbm>> -> memref<200x128xi32, #tpu.memory_space<hbm>>
      %dma_wait3A_349 = arith.constant 0 : i32
      %dma_wait3A_350 = tpu.memref_slice %arg2[%mul3A_2, %dma_wait3A_349] : memref<6400x128xi32, #tpu.memory_space<hbm>> -> memref<200x128xi32, #tpu.memory_space<hbm>>
      tpu.wait_dma2 semaphore(%run_scoped3A : memref<!tpu.dma_semaphore, #tpu.memory_space<semaphore_mem>>) src(%dma_wait3A_350 : memref<200x128xi32, #tpu.memory_space<hbm>>) dst(%arg5 : memref<200x128xi32, #tpu.memory_space<vmem>>)
      tpu.yield
    }) : () -> ()
    %dma_start3A = arith.constant 0 : i32
    %dma_start3A_5 = arith.constant 0 : i32
    %dma_start3A_6 = arith.constant 0 : i32
    %dma_start3A_7 = arith.constant 0 : i32
    %dma_start3A_8 = tpu.memref_slice %arg6[%dma_start3A_6, %dma_start3A_7] : memref<768x128xf32, #tpu.memory_space<vmem>> -> memref<128x128xf32, #tpu.memory_space<vmem>>
    %dma_start3A_9 = arith.constant 0 : i32
    %dma_start3A_10 = tpu.memref_slice %arg5[%dma_start3A, %dma_start3A_9] : memref<200x128xi32, #tpu.memory_space<vmem>> -> memref<1x128xi32, #tpu.memory_space<vmem>>
    %dma_start3A_11 = tpu.memref_squeeze %dma_start3A_10 : memref<1x128xi32, #tpu.memory_space<vmem>> -> memref<128xi32, #tpu.memory_space<vmem>>
    %dma_start3A_12 = arith.constant 0 : i32
    %dma_start3A_13 = arith.constant 0 : i32
    %dma_start3A_14 = tpu.memref_slice %arg3[%dma_start3A_12, %dma_start3A_13] : memref<100000x128xf32, #tpu.memory_space<hbm>> -> memref<100000x128xf32, #tpu.memory_space<hbm>>
    %dma_start3A_15 = tpu.memref_slice %arg7[%dma_start3A_5] : memref<6x!tpu.dma_semaphore, #tpu.memory_space<semaphore_mem>> -> memref<1x!tpu.dma_semaphore, #tpu.memory_space<semaphore_mem>>
    %dma_start3A_16 = tpu.memref_squeeze %dma_start3A_15 : memref<1x!tpu.dma_semaphore, #tpu.memory_space<semaphore_mem>> -> memref<!tpu.dma_semaphore, #tpu.memory_space<semaphore_mem>>
    tpu.enqueue_indirect_dma source(%dma_start3A_14 : memref<100000x128xf32, #tpu.memory_space<hbm>>) target(%dma_start3A_8 : memref<128x128xf32, #tpu.memory_space<vmem>>) offsets(%dma_start3A_11 : memref<128xi32, #tpu.memory_space<vmem>>) semaphore(%dma_start3A_16 : memref<!tpu.dma_semaphore, #tpu.memory_space<semaphore_mem>>)
    %dma_start3A_17 = arith.constant 1 : i32
    %dma_start3A_18 = arith.constant 1 : i32
    %dma_start3A_19 = arith.constant 128 : i32
    %dma_start3A_20 = arith.constant 0 : i32
    %dma_start3A_21 = tpu.memref_slice %arg6[%dma_start3A_19, %dma_start3A_20] : memref<768x128xf32, #tpu.memory_space<vmem>> -> memref<128x128xf32, #tpu.memory_space<vmem>>
    %dma_start3A_22 = arith.constant 0 : i32
    %dma_start3A_23 = tpu.memref_slice %arg5[%dma_start3A_17, %dma_start3A_22] : memref<200x128xi32, #tpu.memory_space<vmem>> -> memref<1x128xi32, #tpu.memory_space<vmem>>
    %dma_start3A_24 = tpu.memref_squeeze %dma_start3A_23 : memref<1x128xi32, #tpu.memory_space<vmem>> -> memref<128xi32, #tpu.memory_space<vmem>>
    %dma_start3A_25 = arith.constant 0 : i32
    %dma_start3A_26 = arith.constant 0 : i32
    %dma_start3A_27 = tpu.memref_slice %arg3[%dma_start3A_25, %dma_start3A_26] : memref<100000x128xf32, #tpu.memory_space<hbm>> -> memref<100000x128xf32, #tpu.memory_space<hbm>>
    %dma_start3A_28 = tpu.memref_slice %arg7[%dma_start3A_18] : memref<6x!tpu.dma_semaphore, #tpu.memory_space<semaphore_mem>> -> memref<1x!tpu.dma_semaphore, #tpu.memory_space<semaphore_mem>>
    %dma_start3A_29 = tpu.memref_squeeze %dma_start3A_28 : memref<1x!tpu.dma_semaphore, #tpu.memory_space<semaphore_mem>> -> memref<!tpu.dma_semaphore, #tpu.memory_space<semaphore_mem>>
    tpu.enqueue_indirect_dma source(%dma_start3A_27 : memref<100000x128xf32, #tpu.memory_space<hbm>>) target(%dma_start3A_21 : memref<128x128xf32, #tpu.memory_space<vmem>>) offsets(%dma_start3A_24 : memref<128xi32, #tpu.memory_space<vmem>>) semaphore(%dma_start3A_29 : memref<!tpu.dma_semaphore, #tpu.memory_space<semaphore_mem>>)
    %dma_start3A_30 = arith.constant 2 : i32
    %dma_start3A_31 = arith.constant 2 : i32
    %dma_start3A_32 = arith.constant 256 : i32
    %dma_start3A_33 = arith.constant 0 : i32
    %dma_start3A_34 = tpu.memref_slice %arg6[%dma_start3A_32, %dma_start3A_33] : memref<768x128xf32, #tpu.memory_space<vmem>> -> memref<128x128xf32, #tpu.memory_space<vmem>>
    %dma_start3A_35 = arith.constant 0 : i32
    %dma_start3A_36 = tpu.memref_slice %arg5[%dma_start3A_30, %dma_start3A_35] : memref<200x128xi32, #tpu.memory_space<vmem>> -> memref<1x128xi32, #tpu.memory_space<vmem>>
    %dma_start3A_37 = tpu.memref_squeeze %dma_start3A_36 : memref<1x128xi32, #tpu.memory_space<vmem>> -> memref<128xi32, #tpu.memory_space<vmem>>
    %dma_start3A_38 = arith.constant 0 : i32
    %dma_start3A_39 = arith.constant 0 : i32
    %dma_start3A_40 = tpu.memref_slice %arg3[%dma_start3A_38, %dma_start3A_39] : memref<100000x128xf32, #tpu.memory_space<hbm>> -> memref<100000x128xf32, #tpu.memory_space<hbm>>
    %dma_start3A_41 = tpu.memref_slice %arg7[%dma_start3A_31] : memref<6x!tpu.dma_semaphore, #tpu.memory_space<semaphore_mem>> -> memref<1x!tpu.dma_semaphore, #tpu.memory_space<semaphore_mem>>
    %dma_start3A_42 = tpu.memref_squeeze %dma_start3A_41 : memref<1x!tpu.dma_semaphore, #tpu.memory_space<semaphore_mem>> -> memref<!tpu.dma_semaphore, #tpu.memory_space<semaphore_mem>>
    tpu.enqueue_indirect_dma source(%dma_start3A_40 : memref<100000x128xf32, #tpu.memory_space<hbm>>) target(%dma_start3A_34 : memref<128x128xf32, #tpu.memory_space<vmem>>) offsets(%dma_start3A_37 : memref<128xi32, #tpu.memory_space<vmem>>) semaphore(%dma_start3A_42 : memref<!tpu.dma_semaphore, #tpu.memory_space<semaphore_mem>>)
    %dma_start3A_43 = arith.constant 3 : i32
    %dma_start3A_44 = arith.constant 3 : i32
    %dma_start3A_45 = arith.constant 384 : i32
    %dma_start3A_46 = arith.constant 0 : i32
    %dma_start3A_47 = tpu.memref_slice %arg6[%dma_start3A_45, %dma_start3A_46] : memref<768x128xf32, #tpu.memory_space<vmem>> -> memref<128x128xf32, #tpu.memory_space<vmem>>
    %dma_start3A_48 = arith.constant 0 : i32
    %dma_start3A_49 = tpu.memref_slice %arg5[%dma_start3A_43, %dma_start3A_48] : memref<200x128xi32, #tpu.memory_space<vmem>> -> memref<1x128xi32, #tpu.memory_space<vmem>>
    %dma_start3A_50 = tpu.memref_squeeze %dma_start3A_49 : memref<1x128xi32, #tpu.memory_space<vmem>> -> memref<128xi32, #tpu.memory_space<vmem>>
    %dma_start3A_51 = arith.constant 0 : i32
    %dma_start3A_52 = arith.constant 0 : i32
    %dma_start3A_53 = tpu.memref_slice %arg3[%dma_start3A_51, %dma_start3A_52] : memref<100000x128xf32, #tpu.memory_space<hbm>> -> memref<100000x128xf32, #tpu.memory_space<hbm>>
    %dma_start3A_54 = tpu.memref_slice %arg7[%dma_start3A_44] : memref<6x!tpu.dma_semaphore, #tpu.memory_space<semaphore_mem>> -> memref<1x!tpu.dma_semaphore, #tpu.memory_space<semaphore_mem>>
    %dma_start3A_55 = tpu.memref_squeeze %dma_start3A_54 : memref<1x!tpu.dma_semaphore, #tpu.memory_space<semaphore_mem>> -> memref<!tpu.dma_semaphore, #tpu.memory_space<semaphore_mem>>
    tpu.enqueue_indirect_dma source(%dma_start3A_53 : memref<100000x128xf32, #tpu.memory_space<hbm>>) target(%dma_start3A_47 : memref<128x128xf32, #tpu.memory_space<vmem>>) offsets(%dma_start3A_50 : memref<128xi32, #tpu.memory_space<vmem>>) semaphore(%dma_start3A_55 : memref<!tpu.dma_semaphore, #tpu.memory_space<semaphore_mem>>)
    %dma_start3A_56 = arith.constant 4 : i32
    %dma_start3A_57 = arith.constant 4 : i32
    %dma_start3A_58 = arith.constant 512 : i32
    %dma_start3A_59 = arith.constant 0 : i32
    %dma_start3A_60 = tpu.memref_slice %arg6[%dma_start3A_58, %dma_start3A_59] : memref<768x128xf32, #tpu.memory_space<vmem>> -> memref<128x128xf32, #tpu.memory_space<vmem>>
    %dma_start3A_61 = arith.constant 0 : i32
    %dma_start3A_62 = tpu.memref_slice %arg5[%dma_start3A_56, %dma_start3A_61] : memref<200x128xi32, #tpu.memory_space<vmem>> -> memref<1x128xi32, #tpu.memory_space<vmem>>
    %dma_start3A_63 = tpu.memref_squeeze %dma_start3A_62 : memref<1x128xi32, #tpu.memory_space<vmem>> -> memref<128xi32, #tpu.memory_space<vmem>>
    %dma_start3A_64 = arith.constant 0 : i32
    %dma_start3A_65 = arith.constant 0 : i32
    %dma_start3A_66 = tpu.memref_slice %arg3[%dma_start3A_64, %dma_start3A_65] : memref<100000x128xf32, #tpu.memory_space<hbm>> -> memref<100000x128xf32, #tpu.memory_space<hbm>>
    %dma_start3A_67 = tpu.memref_slice %arg7[%dma_start3A_57] : memref<6x!tpu.dma_semaphore, #tpu.memory_space<semaphore_mem>> -> memref<1x!tpu.dma_semaphore, #tpu.memory_space<semaphore_mem>>
    %dma_start3A_68 = tpu.memref_squeeze %dma_start3A_67 : memref<1x!tpu.dma_semaphore, #tpu.memory_space<semaphore_mem>> -> memref<!tpu.dma_semaphore, #tpu.memory_space<semaphore_mem>>
    tpu.enqueue_indirect_dma source(%dma_start3A_66 : memref<100000x128xf32, #tpu.memory_space<hbm>>) target(%dma_start3A_60 : memref<128x128xf32, #tpu.memory_space<vmem>>) offsets(%dma_start3A_63 : memref<128xi32, #tpu.memory_space<vmem>>) semaphore(%dma_start3A_68 : memref<!tpu.dma_semaphore, #tpu.memory_space<semaphore_mem>>)
    %dma_wait3A = arith.constant 0 : i32
    %dma_wait3A_69 = arith.constant 0 : i32
    %dma_wait3A_70 = arith.constant 0 : i32
    %dma_wait3A_71 = arith.constant 0 : i32
    %dma_wait3A_72 = tpu.memref_slice %arg6[%dma_wait3A_70, %dma_wait3A_71] : memref<768x128xf32, #tpu.memory_space<vmem>> -> memref<128x128xf32, #tpu.memory_space<vmem>>
    %dma_wait3A_73 = arith.constant 0 : i32
    %dma_wait3A_74 = tpu.memref_slice %arg5[%dma_wait3A, %dma_wait3A_73] : memref<200x128xi32, #tpu.memory_space<vmem>> -> memref<1x128xi32, #tpu.memory_space<vmem>>
    %dma_wait3A_75 = tpu.memref_squeeze %dma_wait3A_74 : memref<1x128xi32, #tpu.memory_space<vmem>> -> memref<128xi32, #tpu.memory_space<vmem>>
    %dma_wait3A_76 = arith.constant 0 : i32
    %dma_wait3A_77 = arith.constant 0 : i32
    %dma_wait3A_78 = tpu.memref_slice %arg3[%dma_wait3A_76, %dma_wait3A_77] : memref<100000x128xf32, #tpu.memory_space<hbm>> -> memref<100000x128xf32, #tpu.memory_space<hbm>>
    %dma_wait3A_79 = tpu.memref_slice %arg7[%dma_wait3A_69] : memref<6x!tpu.dma_semaphore, #tpu.memory_space<semaphore_mem>> -> memref<1x!tpu.dma_semaphore, #tpu.memory_space<semaphore_mem>>
    %dma_wait3A_80 = tpu.memref_squeeze %dma_wait3A_79 : memref<1x!tpu.dma_semaphore, #tpu.memory_space<semaphore_mem>> -> memref<!tpu.dma_semaphore, #tpu.memory_space<semaphore_mem>>
    tpu.wait_indirect_dma semaphore(%dma_wait3A_80 : memref<!tpu.dma_semaphore, #tpu.memory_space<semaphore_mem>>) src(%dma_wait3A_78 : memref<100000x128xf32, #tpu.memory_space<hbm>>) dst(%dma_wait3A_72 : memref<128x128xf32, #tpu.memory_space<vmem>>)
    %add3A_81 = arith.constant 0 : i32
    %add3A_82 = arith.addi %mul3A_4, %add3A_81 : i32
    %dma_start3A_83 = arith.constant 0 : i32
    %dma_start3A_84 = arith.constant 0 : i32
    %dma_start3A_85 = arith.constant 0 : i32
    %dma_start3A_86 = tpu.memref_slice %arg6[%dma_start3A_84, %dma_start3A_85] : memref<768x128xf32, #tpu.memory_space<vmem>> -> memref<128x128xf32, #tpu.memory_space<vmem>>
    %dma_start3A_87 = arith.constant 0 : i32
    %dma_start3A_88 = tpu.memref_slice %arg4[%add3A_82, %dma_start3A_87] : memref<819200x128xf32, #tpu.memory_space<hbm>> -> memref<128x128xf32, #tpu.memory_space<hbm>>
    %dma_start3A_89 = tpu.memref_slice %arg8[%dma_start3A_83] : memref<6x!tpu.dma_semaphore, #tpu.memory_space<semaphore_mem>> -> memref<1x!tpu.dma_semaphore, #tpu.memory_space<semaphore_mem>>
    %dma_start3A_90 = tpu.memref_squeeze %dma_start3A_89 : memref<1x!tpu.dma_semaphore, #tpu.memory_space<semaphore_mem>> -> memref<!tpu.dma_semaphore, #tpu.memory_space<semaphore_mem>>
    %dma_start3A_91 = arith.constant 0 : i32
    %dma_start3A_92 = tpu.memref_slice %arg4[%add3A_82, %dma_start3A_91] : memref<819200x128xf32, #tpu.memory_space<hbm>> -> memref<128x128xf32, #tpu.memory_space<hbm>>
    %dma_start3A_93 = arith.constant 0 : i32
    %dma_start3A_94 = arith.constant 0 : i32
    %dma_start3A_95 = tpu.memref_slice %arg6[%dma_start3A_93, %dma_start3A_94] : memref<768x128xf32, #tpu.memory_space<vmem>> -> memref<128x128xf32, #tpu.memory_space<vmem>>
    tpu.enqueue_dma source(%dma_start3A_95 : memref<128x128xf32, #tpu.memory_space<vmem>>) target(%dma_start3A_92 : memref<128x128xf32, #tpu.memory_space<hbm>>) target_semaphore(%dma_start3A_90 : memref<!tpu.dma_semaphore, #tpu.memory_space<semaphore_mem>>)
    %dma_start3A_96 = arith.constant 5 : i32
    %dma_start3A_97 = arith.constant 5 : i32
    %dma_start3A_98 = arith.constant 640 : i32
    %dma_start3A_99 = arith.constant 0 : i32
    %dma_start3A_100 = tpu.memref_slice %arg6[%dma_start3A_98, %dma_start3A_99] : memref<768x128xf32, #tpu.memory_space<vmem>> -> memref<128x128xf32, #tpu.memory_space<vmem>>
    %dma_start3A_101 = arith.constant 0 : i32
    %dma_start3A_102 = tpu.memref_slice %arg5[%dma_start3A_96, %dma_start3A_101] : memref<200x128xi32, #tpu.memory_space<vmem>> -> memref<1x128xi32, #tpu.memory_space<vmem>>
    %dma_start3A_103 = tpu.memref_squeeze %dma_start3A_102 : memref<1x128xi32, #tpu.memory_space<vmem>> -> memref<128xi32, #tpu.memory_space<vmem>>
    %dma_start3A_104 = arith.constant 0 : i32
    %dma_start3A_105 = arith.constant 0 : i32
    %dma_start3A_106 = tpu.memref_slice %arg3[%dma_start3A_104, %dma_start3A_105] : memref<100000x128xf32, #tpu.memory_space<hbm>> -> memref<100000x128xf32, #tpu.memory_space<hbm>>
    %dma_start3A_107 = tpu.memref_slice %arg7[%dma_start3A_97] : memref<6x!tpu.dma_semaphore, #tpu.memory_space<semaphore_mem>> -> memref<1x!tpu.dma_semaphore, #tpu.memory_space<semaphore_mem>>
    %dma_start3A_108 = tpu.memref_squeeze %dma_start3A_107 : memref<1x!tpu.dma_semaphore, #tpu.memory_space<semaphore_mem>> -> memref<!tpu.dma_semaphore, #tpu.memory_space<semaphore_mem>>
    tpu.enqueue_indirect_dma source(%dma_start3A_106 : memref<100000x128xf32, #tpu.memory_space<hbm>>) target(%dma_start3A_100 : memref<128x128xf32, #tpu.memory_space<vmem>>) offsets(%dma_start3A_103 : memref<128xi32, #tpu.memory_space<vmem>>) semaphore(%dma_start3A_108 : memref<!tpu.dma_semaphore, #tpu.memory_space<semaphore_mem>>)
    %scan3A = arith.constant 0 : i32
    %scan3A_109 = arith.constant 194 : i32
    %scan3A_110 = arith.addi %scan3A, %scan3A_109 : i32
    %scan3A_111 = arith.constant 1 : i32
    scf.for %scan3A_343 = %scan3A to %scan3A_110 step %scan3A_111  : i32 {
      %mul3A_344 = arith.constant 1 : i32
      %mul3A_345 = arith.muli %scan3A_343, %mul3A_344 : i32
      %add3A_346 = arith.constant 1 : i32
      %add3A_347 = arith.addi %add3A_346, %mul3A_345 : i32
      %jit3A = arith.constant 6 : i32
      %eq3A = arith.constant 0 : i32
      %eq3A_348 = arith.cmpi eq, %jit3A, %eq3A : i32
      %jit3A_349 = arith.constant 1 : i32
      %select_n3A = arith.select %eq3A_348, %jit3A_349, %jit3A : i32
      %rem3A = arith.remsi %add3A_347, %select_n3A : i32
      %ne3A = arith.constant 0 : i32
      %ne3A_350 = arith.cmpi ne, %rem3A, %ne3A : i32
      %lt3A = arith.constant 0 : i32
      %lt3A_351 = arith.cmpi slt, %rem3A, %lt3A : i32
      %lt3A_352 = arith.constant 0 : i32
      %lt3A_353 = arith.cmpi slt, %select_n3A, %lt3A_352 : i32
      %ne3A_354 = arith.xori %lt3A_351, %lt3A_353 : i1
      %and3A = arith.andi %ne3A_354, %ne3A_350 : i1
      %add3A_355 = arith.addi %rem3A, %select_n3A : i32
      %select_n3A_356 = arith.select %and3A, %add3A_355, %rem3A : i32
      %mul3A_357 = arith.constant 1 : i32
      %mul3A_358 = arith.muli %add3A_347, %mul3A_357 : i32
      %add3A_359 = arith.constant 0 : i32
      %add3A_360 = arith.addi %mul3A_358, %add3A_359 : i32
      %mul3A_361 = arith.constant 128 : i32
      %mul3A_362 = arith.muli %select_n3A_356, %mul3A_361 : i32
      %add3A_363 = arith.constant 0 : i32
      %add3A_364 = arith.addi %mul3A_362, %add3A_363 : i32
      %dma_wait3A_365 = arith.constant 0 : i32
      %dma_wait3A_366 = tpu.memref_slice %arg6[%add3A_364, %dma_wait3A_365] : memref<768x128xf32, #tpu.memory_space<vmem>> -> memref<128x128xf32, #tpu.memory_space<vmem>>
      %dma_wait3A_367 = arith.constant 0 : i32
      %dma_wait3A_368 = tpu.memref_slice %arg5[%add3A_360, %dma_wait3A_367] : memref<200x128xi32, #tpu.memory_space<vmem>> -> memref<1x128xi32, #tpu.memory_space<vmem>>
      %dma_wait3A_369 = tpu.memref_squeeze %dma_wait3A_368 : memref<1x128xi32, #tpu.memory_space<vmem>> -> memref<128xi32, #tpu.memory_space<vmem>>
      %dma_wait3A_370 = arith.constant 0 : i32
      %dma_wait3A_371 = arith.constant 0 : i32
      %dma_wait3A_372 = tpu.memref_slice %arg3[%dma_wait3A_370, %dma_wait3A_371] : memref<100000x128xf32, #tpu.memory_space<hbm>> -> memref<100000x128xf32, #tpu.memory_space<hbm>>
      %dma_wait3A_373 = tpu.memref_slice %arg7[%select_n3A_356] : memref<6x!tpu.dma_semaphore, #tpu.memory_space<semaphore_mem>> -> memref<1x!tpu.dma_semaphore, #tpu.memory_space<semaphore_mem>>
      %dma_wait3A_374 = tpu.memref_squeeze %dma_wait3A_373 : memref<1x!tpu.dma_semaphore, #tpu.memory_space<semaphore_mem>> -> memref<!tpu.dma_semaphore, #tpu.memory_space<semaphore_mem>>
      tpu.wait_indirect_dma semaphore(%dma_wait3A_374 : memref<!tpu.dma_semaphore, #tpu.memory_space<semaphore_mem>>) src(%dma_wait3A_372 : memref<100000x128xf32, #tpu.memory_space<hbm>>) dst(%dma_wait3A_366 : memref<128x128xf32, #tpu.memory_space<vmem>>)
      %mul3A_375 = arith.constant 128 : i32
      %mul3A_376 = arith.muli %select_n3A_356, %mul3A_375 : i32
      %mul3A_377 = arith.constant 128 : i32
      %mul3A_378 = arith.muli %add3A_347, %mul3A_377 : i32
      %add3A_379 = arith.addi %mul3A_4, %mul3A_378 : i32
      %dma_start3A_380 = arith.constant 0 : i32
      %dma_start3A_381 = tpu.memref_slice %arg6[%mul3A_376, %dma_start3A_380] : memref<768x128xf32, #tpu.memory_space<vmem>> -> memref<128x128xf32, #tpu.memory_space<vmem>>
      %dma_start3A_382 = arith.constant 0 : i32
      %dma_start3A_383 = tpu.memref_slice %arg4[%add3A_379, %dma_start3A_382] : memref<819200x128xf32, #tpu.memory_space<hbm>> -> memref<128x128xf32, #tpu.memory_space<hbm>>
      %dma_start3A_384 = tpu.memref_slice %arg8[%select_n3A_356] : memref<6x!tpu.dma_semaphore, #tpu.memory_space<semaphore_mem>> -> memref<1x!tpu.dma_semaphore, #tpu.memory_space<semaphore_mem>>
      %dma_start3A_385 = tpu.memref_squeeze %dma_start3A_384 : memref<1x!tpu.dma_semaphore, #tpu.memory_space<semaphore_mem>> -> memref<!tpu.dma_semaphore, #tpu.memory_space<semaphore_mem>>
      %dma_start3A_386 = arith.constant 0 : i32
      %dma_start3A_387 = tpu.memref_slice %arg4[%add3A_379, %dma_start3A_386] : memref<819200x128xf32, #tpu.memory_space<hbm>> -> memref<128x128xf32, #tpu.memory_space<hbm>>
      %dma_start3A_388 = arith.constant 0 : i32
      %dma_start3A_389 = tpu.memref_slice %arg6[%mul3A_376, %dma_start3A_388] : memref<768x128xf32, #tpu.memory_space<vmem>> -> memref<128x128xf32, #tpu.memory_space<vmem>>
      tpu.enqueue_dma source(%dma_start3A_389 : memref<128x128xf32, #tpu.memory_space<vmem>>) target(%dma_start3A_387 : memref<128x128xf32, #tpu.memory_space<hbm>>) target_semaphore(%dma_start3A_385 : memref<!tpu.dma_semaphore, #tpu.memory_space<semaphore_mem>>)
      %add3A_390 = arith.constant 6 : i32
      %add3A_391 = arith.addi %add3A_347, %add3A_390 : i32
      %sub3A = arith.constant 1 : i32
      %sub3A_392 = arith.subi %add3A_391, %sub3A : i32
      %jit3A_393 = arith.constant 6 : i32
      %eq3A_394 = arith.constant 0 : i32
      %eq3A_395 = arith.cmpi eq, %jit3A_393, %eq3A_394 : i32
      %jit3A_396 = arith.constant 1 : i32
      %select_n3A_397 = arith.select %eq3A_395, %jit3A_396, %jit3A_393 : i32
      %rem3A_398 = arith.remsi %sub3A_392, %select_n3A_397 : i32
      %ne3A_399 = arith.constant 0 : i32
      %ne3A_400 = arith.cmpi ne, %rem3A_398, %ne3A_399 : i32
      %lt3A_401 = arith.constant 0 : i32
      %lt3A_402 = arith.cmpi slt, %rem3A_398, %lt3A_401 : i32
      %lt3A_403 = arith.constant 0 : i32
      %lt3A_404 = arith.cmpi slt, %select_n3A_397, %lt3A_403 : i32
      %ne3A_405 = arith.xori %lt3A_402, %lt3A_404 : i1
      %and3A_406 = arith.andi %ne3A_405, %ne3A_400 : i1
      %add3A_407 = arith.addi %rem3A_398, %select_n3A_397 : i32
      %select_n3A_408 = arith.select %and3A_406, %add3A_407, %rem3A_398 : i32
      %sub3A_409 = arith.constant 1 : i32
      %sub3A_410 = arith.subi %add3A_347, %sub3A_409 : i32
      %mul3A_411 = arith.constant 128 : i32
      %mul3A_412 = arith.muli %select_n3A_408, %mul3A_411 : i32
      %mul3A_413 = arith.constant 128 : i32
      %mul3A_414 = arith.muli %sub3A_410, %mul3A_413 : i32
      %add3A_415 = arith.addi %mul3A_4, %mul3A_414 : i32
      %dma_wait3A_416 = arith.constant 0 : i32
      %dma_wait3A_417 = tpu.memref_slice %arg6[%mul3A_412, %dma_wait3A_416] : memref<768x128xf32, #tpu.memory_space<vmem>> -> memref<128x128xf32, #tpu.memory_space<vmem>>
      %dma_wait3A_418 = arith.constant 0 : i32
      %dma_wait3A_419 = tpu.memref_slice %arg4[%add3A_415, %dma_wait3A_418] : memref<819200x128xf32, #tpu.memory_space<hbm>> -> memref<128x128xf32, #tpu.memory_space<hbm>>
      %dma_wait3A_420 = tpu.memref_slice %arg8[%select_n3A_408] : memref<6x!tpu.dma_semaphore, #tpu.memory_space<semaphore_mem>> -> memref<1x!tpu.dma_semaphore, #tpu.memory_space<semaphore_mem>>
      %dma_wait3A_421 = tpu.memref_squeeze %dma_wait3A_420 : memref<1x!tpu.dma_semaphore, #tpu.memory_space<semaphore_mem>> -> memref<!tpu.dma_semaphore, #tpu.memory_space<semaphore_mem>>
      %dma_wait3A_422 = arith.constant 0 : i32
      %dma_wait3A_423 = tpu.memref_slice %arg4[%add3A_415, %dma_wait3A_422] : memref<819200x128xf32, #tpu.memory_space<hbm>> -> memref<128x128xf32, #tpu.memory_space<hbm>>
      %dma_wait3A_424 = arith.constant 0 : i32
      %dma_wait3A_425 = tpu.memref_slice %arg6[%mul3A_412, %dma_wait3A_424] : memref<768x128xf32, #tpu.memory_space<vmem>> -> memref<128x128xf32, #tpu.memory_space<vmem>>
      tpu.wait_dma2 semaphore(%dma_wait3A_421 : memref<!tpu.dma_semaphore, #tpu.memory_space<semaphore_mem>>) src(%dma_wait3A_425 : memref<128x128xf32, #tpu.memory_space<vmem>>) dst(%dma_wait3A_423 : memref<128x128xf32, #tpu.memory_space<hbm>>)
      %add3A_426 = arith.constant 6 : i32
      %add3A_427 = arith.addi %add3A_347, %add3A_426 : i32
      %sub3A_428 = arith.constant 1 : i32
      %sub3A_429 = arith.subi %add3A_427, %sub3A_428 : i32
      %mul3A_430 = arith.constant 1 : i32
      %mul3A_431 = arith.muli %sub3A_429, %mul3A_430 : i32
      %add3A_432 = arith.constant 0 : i32
      %add3A_433 = arith.addi %mul3A_431, %add3A_432 : i32
      %mul3A_434 = arith.constant 128 : i32
      %mul3A_435 = arith.muli %select_n3A_408, %mul3A_434 : i32
      %add3A_436 = arith.constant 0 : i32
      %add3A_437 = arith.addi %mul3A_435, %add3A_436 : i32
      %dma_start3A_438 = arith.constant 0 : i32
      %dma_start3A_439 = tpu.memref_slice %arg6[%add3A_437, %dma_start3A_438] : memref<768x128xf32, #tpu.memory_space<vmem>> -> memref<128x128xf32, #tpu.memory_space<vmem>>
      %dma_start3A_440 = arith.constant 0 : i32
      %dma_start3A_441 = tpu.memref_slice %arg5[%add3A_433, %dma_start3A_440] : memref<200x128xi32, #tpu.memory_space<vmem>> -> memref<1x128xi32, #tpu.memory_space<vmem>>
      %dma_start3A_442 = tpu.memref_squeeze %dma_start3A_441 : memref<1x128xi32, #tpu.memory_space<vmem>> -> memref<128xi32, #tpu.memory_space<vmem>>
      %dma_start3A_443 = arith.constant 0 : i32
      %dma_start3A_444 = arith.constant 0 : i32
      %dma_start3A_445 = tpu.memref_slice %arg3[%dma_start3A_443, %dma_start3A_444] : memref<100000x128xf32, #tpu.memory_space<hbm>> -> memref<100000x128xf32, #tpu.memory_space<hbm>>
      %dma_start3A_446 = tpu.memref_slice %arg7[%select_n3A_408] : memref<6x!tpu.dma_semaphore, #tpu.memory_space<semaphore_mem>> -> memref<1x!tpu.dma_semaphore, #tpu.memory_space<semaphore_mem>>
      %dma_start3A_447 = tpu.memref_squeeze %dma_start3A_446 : memref<1x!tpu.dma_semaphore, #tpu.memory_space<semaphore_mem>> -> memref<!tpu.dma_semaphore, #tpu.memory_space<semaphore_mem>>
      tpu.enqueue_indirect_dma source(%dma_start3A_445 : memref<100000x128xf32, #tpu.memory_space<hbm>>) target(%dma_start3A_439 : memref<128x128xf32, #tpu.memory_space<vmem>>) offsets(%dma_start3A_442 : memref<128xi32, #tpu.memory_space<vmem>>) semaphore(%dma_start3A_447 : memref<!tpu.dma_semaphore, #tpu.memory_space<semaphore_mem>>)
    }
    %scan3A_112 = arith.constant 194 : i32
    %dma_wait3A_113 = arith.constant 195 : i32
    %dma_wait3A_114 = arith.constant 3 : i32
    %dma_wait3A_115 = arith.constant 384 : i32
    %dma_wait3A_116 = arith.constant 0 : i32
    %dma_wait3A_117 = tpu.memref_slice %arg6[%dma_wait3A_115, %dma_wait3A_116] : memref<768x128xf32, #tpu.memory_space<vmem>> -> memref<128x128xf32, #tpu.memory_space<vmem>>
    %dma_wait3A_118 = arith.constant 0 : i32
    %dma_wait3A_119 = tpu.memref_slice %arg5[%dma_wait3A_113, %dma_wait3A_118] : memref<200x128xi32, #tpu.memory_space<vmem>> -> memref<1x128xi32, #tpu.memory_space<vmem>>
    %dma_wait3A_120 = tpu.memref_squeeze %dma_wait3A_119 : memref<1x128xi32, #tpu.memory_space<vmem>> -> memref<128xi32, #tpu.memory_space<vmem>>
    %dma_wait3A_121 = arith.constant 0 : i32
    %dma_wait3A_122 = arith.constant 0 : i32
    %dma_wait3A_123 = tpu.memref_slice %arg3[%dma_wait3A_121, %dma_wait3A_122] : memref<100000x128xf32, #tpu.memory_space<hbm>> -> memref<100000x128xf32, #tpu.memory_space<hbm>>
    %dma_wait3A_124 = tpu.memref_slice %arg7[%dma_wait3A_114] : memref<6x!tpu.dma_semaphore, #tpu.memory_space<semaphore_mem>> -> memref<1x!tpu.dma_semaphore, #tpu.memory_space<semaphore_mem>>
    %dma_wait3A_125 = tpu.memref_squeeze %dma_wait3A_124 : memref<1x!tpu.dma_semaphore, #tpu.memory_space<semaphore_mem>> -> memref<!tpu.dma_semaphore, #tpu.memory_space<semaphore_mem>>
    tpu.wait_indirect_dma semaphore(%dma_wait3A_125 : memref<!tpu.dma_semaphore, #tpu.memory_space<semaphore_mem>>) src(%dma_wait3A_123 : memref<100000x128xf32, #tpu.memory_space<hbm>>) dst(%dma_wait3A_117 : memref<128x128xf32, #tpu.memory_space<vmem>>)
    %add3A_126 = arith.constant 24960 : i32
    %add3A_127 = arith.addi %mul3A_4, %add3A_126 : i32
    %dma_start3A_128 = arith.constant 3 : i32
    %dma_start3A_129 = arith.constant 384 : i32
    %dma_start3A_130 = arith.constant 0 : i32
    %dma_start3A_131 = tpu.memref_slice %arg6[%dma_start3A_129, %dma_start3A_130] : memref<768x128xf32, #tpu.memory_space<vmem>> -> memref<128x128xf32, #tpu.memory_space<vmem>>
    %dma_start3A_132 = arith.constant 0 : i32
    %dma_start3A_133 = tpu.memref_slice %arg4[%add3A_127, %dma_start3A_132] : memref<819200x128xf32, #tpu.memory_space<hbm>> -> memref<128x128xf32, #tpu.memory_space<hbm>>
    %dma_start3A_134 = tpu.memref_slice %arg8[%dma_start3A_128] : memref<6x!tpu.dma_semaphore, #tpu.memory_space<semaphore_mem>> -> memref<1x!tpu.dma_semaphore, #tpu.memory_space<semaphore_mem>>
    %dma_start3A_135 = tpu.memref_squeeze %dma_start3A_134 : memref<1x!tpu.dma_semaphore, #tpu.memory_space<semaphore_mem>> -> memref<!tpu.dma_semaphore, #tpu.memory_space<semaphore_mem>>
    %dma_start3A_136 = arith.constant 0 : i32
    %dma_start3A_137 = tpu.memref_slice %arg4[%add3A_127, %dma_start3A_136] : memref<819200x128xf32, #tpu.memory_space<hbm>> -> memref<128x128xf32, #tpu.memory_space<hbm>>
    %dma_start3A_138 = arith.constant 384 : i32
    %dma_start3A_139 = arith.constant 0 : i32
    %dma_start3A_140 = tpu.memref_slice %arg6[%dma_start3A_138, %dma_start3A_139] : memref<768x128xf32, #tpu.memory_space<vmem>> -> memref<128x128xf32, #tpu.memory_space<vmem>>
    tpu.enqueue_dma source(%dma_start3A_140 : memref<128x128xf32, #tpu.memory_space<vmem>>) target(%dma_start3A_137 : memref<128x128xf32, #tpu.memory_space<hbm>>) target_semaphore(%dma_start3A_135 : memref<!tpu.dma_semaphore, #tpu.memory_space<semaphore_mem>>)
    %dma_wait3A_141 = arith.constant 196 : i32
    %dma_wait3A_142 = arith.constant 4 : i32
    %dma_wait3A_143 = arith.constant 512 : i32
    %dma_wait3A_144 = arith.constant 0 : i32
    %dma_wait3A_145 = tpu.memref_slice %arg6[%dma_wait3A_143, %dma_wait3A_144] : memref<768x128xf32, #tpu.memory_space<vmem>> -> memref<128x128xf32, #tpu.memory_space<vmem>>
    %dma_wait3A_146 = arith.constant 0 : i32
    %dma_wait3A_147 = tpu.memref_slice %arg5[%dma_wait3A_141, %dma_wait3A_146] : memref<200x128xi32, #tpu.memory_space<vmem>> -> memref<1x128xi32, #tpu.memory_space<vmem>>
    %dma_wait3A_148 = tpu.memref_squeeze %dma_wait3A_147 : memref<1x128xi32, #tpu.memory_space<vmem>> -> memref<128xi32, #tpu.memory_space<vmem>>
    %dma_wait3A_149 = arith.constant 0 : i32
    %dma_wait3A_150 = arith.constant 0 : i32
    %dma_wait3A_151 = tpu.memref_slice %arg3[%dma_wait3A_149, %dma_wait3A_150] : memref<100000x128xf32, #tpu.memory_space<hbm>> -> memref<100000x128xf32, #tpu.memory_space<hbm>>
    %dma_wait3A_152 = tpu.memref_slice %arg7[%dma_wait3A_142] : memref<6x!tpu.dma_semaphore, #tpu.memory_space<semaphore_mem>> -> memref<1x!tpu.dma_semaphore, #tpu.memory_space<semaphore_mem>>
    %dma_wait3A_153 = tpu.memref_squeeze %dma_wait3A_152 : memref<1x!tpu.dma_semaphore, #tpu.memory_space<semaphore_mem>> -> memref<!tpu.dma_semaphore, #tpu.memory_space<semaphore_mem>>
    tpu.wait_indirect_dma semaphore(%dma_wait3A_153 : memref<!tpu.dma_semaphore, #tpu.memory_space<semaphore_mem>>) src(%dma_wait3A_151 : memref<100000x128xf32, #tpu.memory_space<hbm>>) dst(%dma_wait3A_145 : memref<128x128xf32, #tpu.memory_space<vmem>>)
    %add3A_154 = arith.constant 25088 : i32
    %add3A_155 = arith.addi %mul3A_4, %add3A_154 : i32
    %dma_start3A_156 = arith.constant 4 : i32
    %dma_start3A_157 = arith.constant 512 : i32
    %dma_start3A_158 = arith.constant 0 : i32
    %dma_start3A_159 = tpu.memref_slice %arg6[%dma_start3A_157, %dma_start3A_158] : memref<768x128xf32, #tpu.memory_space<vmem>> -> memref<128x128xf32, #tpu.memory_space<vmem>>
    %dma_start3A_160 = arith.constant 0 : i32
    %dma_start3A_161 = tpu.memref_slice %arg4[%add3A_155, %dma_start3A_160] : memref<819200x128xf32, #tpu.memory_space<hbm>> -> memref<128x128xf32, #tpu.memory_space<hbm>>
    %dma_start3A_162 = tpu.memref_slice %arg8[%dma_start3A_156] : memref<6x!tpu.dma_semaphore, #tpu.memory_space<semaphore_mem>> -> memref<1x!tpu.dma_semaphore, #tpu.memory_space<semaphore_mem>>
    %dma_start3A_163 = tpu.memref_squeeze %dma_start3A_162 : memref<1x!tpu.dma_semaphore, #tpu.memory_space<semaphore_mem>> -> memref<!tpu.dma_semaphore, #tpu.memory_space<semaphore_mem>>
    %dma_start3A_164 = arith.constant 0 : i32
    %dma_start3A_165 = tpu.memref_slice %arg4[%add3A_155, %dma_start3A_164] : memref<819200x128xf32, #tpu.memory_space<hbm>> -> memref<128x128xf32, #tpu.memory_space<hbm>>
    %dma_start3A_166 = arith.constant 512 : i32
    %dma_start3A_167 = arith.constant 0 : i32
    %dma_start3A_168 = tpu.memref_slice %arg6[%dma_start3A_166, %dma_start3A_167] : memref<768x128xf32, #tpu.memory_space<vmem>> -> memref<128x128xf32, #tpu.memory_space<vmem>>
    tpu.enqueue_dma source(%dma_start3A_168 : memref<128x128xf32, #tpu.memory_space<vmem>>) target(%dma_start3A_165 : memref<128x128xf32, #tpu.memory_space<hbm>>) target_semaphore(%dma_start3A_163 : memref<!tpu.dma_semaphore, #tpu.memory_space<semaphore_mem>>)
    %dma_wait3A_169 = arith.constant 197 : i32
    %dma_wait3A_170 = arith.constant 5 : i32
    %dma_wait3A_171 = arith.constant 640 : i32
    %dma_wait3A_172 = arith.constant 0 : i32
    %dma_wait3A_173 = tpu.memref_slice %arg6[%dma_wait3A_171, %dma_wait3A_172] : memref<768x128xf32, #tpu.memory_space<vmem>> -> memref<128x128xf32, #tpu.memory_space<vmem>>
    %dma_wait3A_174 = arith.constant 0 : i32
    %dma_wait3A_175 = tpu.memref_slice %arg5[%dma_wait3A_169, %dma_wait3A_174] : memref<200x128xi32, #tpu.memory_space<vmem>> -> memref<1x128xi32, #tpu.memory_space<vmem>>
    %dma_wait3A_176 = tpu.memref_squeeze %dma_wait3A_175 : memref<1x128xi32, #tpu.memory_space<vmem>> -> memref<128xi32, #tpu.memory_space<vmem>>
    %dma_wait3A_177 = arith.constant 0 : i32
    %dma_wait3A_178 = arith.constant 0 : i32
    %dma_wait3A_179 = tpu.memref_slice %arg3[%dma_wait3A_177, %dma_wait3A_178] : memref<100000x128xf32, #tpu.memory_space<hbm>> -> memref<100000x128xf32, #tpu.memory_space<hbm>>
    %dma_wait3A_180 = tpu.memref_slice %arg7[%dma_wait3A_170] : memref<6x!tpu.dma_semaphore, #tpu.memory_space<semaphore_mem>> -> memref<1x!tpu.dma_semaphore, #tpu.memory_space<semaphore_mem>>
    %dma_wait3A_181 = tpu.memref_squeeze %dma_wait3A_180 : memref<1x!tpu.dma_semaphore, #tpu.memory_space<semaphore_mem>> -> memref<!tpu.dma_semaphore, #tpu.memory_space<semaphore_mem>>
    tpu.wait_indirect_dma semaphore(%dma_wait3A_181 : memref<!tpu.dma_semaphore, #tpu.memory_space<semaphore_mem>>) src(%dma_wait3A_179 : memref<100000x128xf32, #tpu.memory_space<hbm>>) dst(%dma_wait3A_173 : memref<128x128xf32, #tpu.memory_space<vmem>>)
    %add3A_182 = arith.constant 25216 : i32
    %add3A_183 = arith.addi %mul3A_4, %add3A_182 : i32
    %dma_start3A_184 = arith.constant 5 : i32
    %dma_start3A_185 = arith.constant 640 : i32
    %dma_start3A_186 = arith.constant 0 : i32
    %dma_start3A_187 = tpu.memref_slice %arg6[%dma_start3A_185, %dma_start3A_186] : memref<768x128xf32, #tpu.memory_space<vmem>> -> memref<128x128xf32, #tpu.memory_space<vmem>>
    %dma_start3A_188 = arith.constant 0 : i32
    %dma_start3A_189 = tpu.memref_slice %arg4[%add3A_183, %dma_start3A_188] : memref<819200x128xf32, #tpu.memory_space<hbm>> -> memref<128x128xf32, #tpu.memory_space<hbm>>
    %dma_start3A_190 = tpu.memref_slice %arg8[%dma_start3A_184] : memref<6x!tpu.dma_semaphore, #tpu.memory_space<semaphore_mem>> -> memref<1x!tpu.dma_semaphore, #tpu.memory_space<semaphore_mem>>
    %dma_start3A_191 = tpu.memref_squeeze %dma_start3A_190 : memref<1x!tpu.dma_semaphore, #tpu.memory_space<semaphore_mem>> -> memref<!tpu.dma_semaphore, #tpu.memory_space<semaphore_mem>>
    %dma_start3A_192 = arith.constant 0 : i32
    %dma_start3A_193 = tpu.memref_slice %arg4[%add3A_183, %dma_start3A_192] : memref<819200x128xf32, #tpu.memory_space<hbm>> -> memref<128x128xf32, #tpu.memory_space<hbm>>
    %dma_start3A_194 = arith.constant 640 : i32
    %dma_start3A_195 = arith.constant 0 : i32
    %dma_start3A_196 = tpu.memref_slice %arg6[%dma_start3A_194, %dma_start3A_195] : memref<768x128xf32, #tpu.memory_space<vmem>> -> memref<128x128xf32, #tpu.memory_space<vmem>>
    tpu.enqueue_dma source(%dma_start3A_196 : memref<128x128xf32, #tpu.memory_space<vmem>>) target(%dma_start3A_193 : memref<128x128xf32, #tpu.memory_space<hbm>>) target_semaphore(%dma_start3A_191 : memref<!tpu.dma_semaphore, #tpu.memory_space<semaphore_mem>>)
    %dma_wait3A_197 = arith.constant 198 : i32
    %dma_wait3A_198 = arith.constant 0 : i32
    %dma_wait3A_199 = arith.constant 0 : i32
    %dma_wait3A_200 = arith.constant 0 : i32
    %dma_wait3A_201 = tpu.memref_slice %arg6[%dma_wait3A_199, %dma_wait3A_200] : memref<768x128xf32, #tpu.memory_space<vmem>> -> memref<128x128xf32, #tpu.memory_space<vmem>>
    %dma_wait3A_202 = arith.constant 0 : i32
    %dma_wait3A_203 = tpu.memref_slice %arg5[%dma_wait3A_197, %dma_wait3A_202] : memref<200x128xi32, #tpu.memory_space<vmem>> -> memref<1x128xi32, #tpu.memory_space<vmem>>
    %dma_wait3A_204 = tpu.memref_squeeze %dma_wait3A_203 : memref<1x128xi32, #tpu.memory_space<vmem>> -> memref<128xi32, #tpu.memory_space<vmem>>
    %dma_wait3A_205 = arith.constant 0 : i32
    %dma_wait3A_206 = arith.constant 0 : i32
    %dma_wait3A_207 = tpu.memref_slice %arg3[%dma_wait3A_205, %dma_wait3A_206] : memref<100000x128xf32, #tpu.memory_space<hbm>> -> memref<100000x128xf32, #tpu.memory_space<hbm>>
    %dma_wait3A_208 = tpu.memref_slice %arg7[%dma_wait3A_198] : memref<6x!tpu.dma_semaphore, #tpu.memory_space<semaphore_mem>> -> memref<1x!tpu.dma_semaphore, #tpu.memory_space<semaphore_mem>>
    %dma_wait3A_209 = tpu.memref_squeeze %dma_wait3A_208 : memref<1x!tpu.dma_semaphore, #tpu.memory_space<semaphore_mem>> -> memref<!tpu.dma_semaphore, #tpu.memory_space<semaphore_mem>>
    tpu.wait_indirect_dma semaphore(%dma_wait3A_209 : memref<!tpu.dma_semaphore, #tpu.memory_space<semaphore_mem>>) src(%dma_wait3A_207 : memref<100000x128xf32, #tpu.memory_space<hbm>>) dst(%dma_wait3A_201 : memref<128x128xf32, #tpu.memory_space<vmem>>)
    %add3A_210 = arith.constant 25344 : i32
    %add3A_211 = arith.addi %mul3A_4, %add3A_210 : i32
    %dma_start3A_212 = arith.constant 0 : i32
    %dma_start3A_213 = arith.constant 0 : i32
    %dma_start3A_214 = arith.constant 0 : i32
    %dma_start3A_215 = tpu.memref_slice %arg6[%dma_start3A_213, %dma_start3A_214] : memref<768x128xf32, #tpu.memory_space<vmem>> -> memref<128x128xf32, #tpu.memory_space<vmem>>
    %dma_start3A_216 = arith.constant 0 : i32
    %dma_start3A_217 = tpu.memref_slice %arg4[%add3A_211, %dma_start3A_216] : memref<819200x128xf32, #tpu.memory_space<hbm>> -> memref<128x128xf32, #tpu.memory_space<hbm>>
    %dma_start3A_218 = tpu.memref_slice %arg8[%dma_start3A_212] : memref<6x!tpu.dma_semaphore, #tpu.memory_space<semaphore_mem>> -> memref<1x!tpu.dma_semaphore, #tpu.memory_space<semaphore_mem>>
    %dma_start3A_219 = tpu.memref_squeeze %dma_start3A_218 : memref<1x!tpu.dma_semaphore, #tpu.memory_space<semaphore_mem>> -> memref<!tpu.dma_semaphore, #tpu.memory_space<semaphore_mem>>
    %dma_start3A_220 = arith.constant 0 : i32
    %dma_start3A_221 = tpu.memref_slice %arg4[%add3A_211, %dma_start3A_220] : memref<819200x128xf32, #tpu.memory_space<hbm>> -> memref<128x128xf32, #tpu.memory_space<hbm>>
    %dma_start3A_222 = arith.constant 0 : i32
    %dma_start3A_223 = arith.constant 0 : i32
    %dma_start3A_224 = tpu.memref_slice %arg6[%dma_start3A_222, %dma_start3A_223] : memref<768x128xf32, #tpu.memory_space<vmem>> -> memref<128x128xf32, #tpu.memory_space<vmem>>
    tpu.enqueue_dma source(%dma_start3A_224 : memref<128x128xf32, #tpu.memory_space<vmem>>) target(%dma_start3A_221 : memref<128x128xf32, #tpu.memory_space<hbm>>) target_semaphore(%dma_start3A_219 : memref<!tpu.dma_semaphore, #tpu.memory_space<semaphore_mem>>)
    %dma_wait3A_225 = arith.constant 199 : i32
    %dma_wait3A_226 = arith.constant 1 : i32
    %dma_wait3A_227 = arith.constant 128 : i32
    %dma_wait3A_228 = arith.constant 0 : i32
    %dma_wait3A_229 = tpu.memref_slice %arg6[%dma_wait3A_227, %dma_wait3A_228] : memref<768x128xf32, #tpu.memory_space<vmem>> -> memref<128x128xf32, #tpu.memory_space<vmem>>
    %dma_wait3A_230 = arith.constant 0 : i32
    %dma_wait3A_231 = tpu.memref_slice %arg5[%dma_wait3A_225, %dma_wait3A_230] : memref<200x128xi32, #tpu.memory_space<vmem>> -> memref<1x128xi32, #tpu.memory_space<vmem>>
    %dma_wait3A_232 = tpu.memref_squeeze %dma_wait3A_231 : memref<1x128xi32, #tpu.memory_space<vmem>> -> memref<128xi32, #tpu.memory_space<vmem>>
    %dma_wait3A_233 = arith.constant 0 : i32
    %dma_wait3A_234 = arith.constant 0 : i32
    %dma_wait3A_235 = tpu.memref_slice %arg3[%dma_wait3A_233, %dma_wait3A_234] : memref<100000x128xf32, #tpu.memory_space<hbm>> -> memref<100000x128xf32, #tpu.memory_space<hbm>>
    %dma_wait3A_236 = tpu.memref_slice %arg7[%dma_wait3A_226] : memref<6x!tpu.dma_semaphore, #tpu.memory_space<semaphore_mem>> -> memref<1x!tpu.dma_semaphore, #tpu.memory_space<semaphore_mem>>
    %dma_wait3A_237 = tpu.memref_squeeze %dma_wait3A_236 : memref<1x!tpu.dma_semaphore, #tpu.memory_space<semaphore_mem>> -> memref<!tpu.dma_semaphore, #tpu.memory_space<semaphore_mem>>
    tpu.wait_indirect_dma semaphore(%dma_wait3A_237 : memref<!tpu.dma_semaphore, #tpu.memory_space<semaphore_mem>>) src(%dma_wait3A_235 : memref<100000x128xf32, #tpu.memory_space<hbm>>) dst(%dma_wait3A_229 : memref<128x128xf32, #tpu.memory_space<vmem>>)
    %add3A_238 = arith.constant 25472 : i32
    %add3A_239 = arith.addi %mul3A_4, %add3A_238 : i32
    %dma_start3A_240 = arith.constant 1 : i32
    %dma_start3A_241 = arith.constant 128 : i32
    %dma_start3A_242 = arith.constant 0 : i32
    %dma_start3A_243 = tpu.memref_slice %arg6[%dma_start3A_241, %dma_start3A_242] : memref<768x128xf32, #tpu.memory_space<vmem>> -> memref<128x128xf32, #tpu.memory_space<vmem>>
    %dma_start3A_244 = arith.constant 0 : i32
    %dma_start3A_245 = tpu.memref_slice %arg4[%add3A_239, %dma_start3A_244] : memref<819200x128xf32, #tpu.memory_space<hbm>> -> memref<128x128xf32, #tpu.memory_space<hbm>>
    %dma_start3A_246 = tpu.memref_slice %arg8[%dma_start3A_240] : memref<6x!tpu.dma_semaphore, #tpu.memory_space<semaphore_mem>> -> memref<1x!tpu.dma_semaphore, #tpu.memory_space<semaphore_mem>>
    %dma_start3A_247 = tpu.memref_squeeze %dma_start3A_246 : memref<1x!tpu.dma_semaphore, #tpu.memory_space<semaphore_mem>> -> memref<!tpu.dma_semaphore, #tpu.memory_space<semaphore_mem>>
    %dma_start3A_248 = arith.constant 0 : i32
    %dma_start3A_249 = tpu.memref_slice %arg4[%add3A_239, %dma_start3A_248] : memref<819200x128xf32, #tpu.memory_space<hbm>> -> memref<128x128xf32, #tpu.memory_space<hbm>>
    %dma_start3A_250 = arith.constant 128 : i32
    %dma_start3A_251 = arith.constant 0 : i32
    %dma_start3A_252 = tpu.memref_slice %arg6[%dma_start3A_250, %dma_start3A_251] : memref<768x128xf32, #tpu.memory_space<vmem>> -> memref<128x128xf32, #tpu.memory_space<vmem>>
    tpu.enqueue_dma source(%dma_start3A_252 : memref<128x128xf32, #tpu.memory_space<vmem>>) target(%dma_start3A_249 : memref<128x128xf32, #tpu.memory_space<hbm>>) target_semaphore(%dma_start3A_247 : memref<!tpu.dma_semaphore, #tpu.memory_space<semaphore_mem>>)
    %add3A_253 = arith.constant 24832 : i32
    %add3A_254 = arith.addi %mul3A_4, %add3A_253 : i32
    %dma_wait3A_255 = arith.constant 2 : i32
    %dma_wait3A_256 = arith.constant 256 : i32
    %dma_wait3A_257 = arith.constant 0 : i32
    %dma_wait3A_258 = tpu.memref_slice %arg6[%dma_wait3A_256, %dma_wait3A_257] : memref<768x128xf32, #tpu.memory_space<vmem>> -> memref<128x128xf32, #tpu.memory_space<vmem>>
    %dma_wait3A_259 = arith.constant 0 : i32
    %dma_wait3A_260 = tpu.memref_slice %arg4[%add3A_254, %dma_wait3A_259] : memref<819200x128xf32, #tpu.memory_space<hbm>> -> memref<128x128xf32, #tpu.memory_space<hbm>>
    %dma_wait3A_261 = tpu.memref_slice %arg8[%dma_wait3A_255] : memref<6x!tpu.dma_semaphore, #tpu.memory_space<semaphore_mem>> -> memref<1x!tpu.dma_semaphore, #tpu.memory_space<semaphore_mem>>
    %dma_wait3A_262 = tpu.memref_squeeze %dma_wait3A_261 : memref<1x!tpu.dma_semaphore, #tpu.memory_space<semaphore_mem>> -> memref<!tpu.dma_semaphore, #tpu.memory_space<semaphore_mem>>
    %dma_wait3A_263 = arith.constant 0 : i32
    %dma_wait3A_264 = tpu.memref_slice %arg4[%add3A_254, %dma_wait3A_263] : memref<819200x128xf32, #tpu.memory_space<hbm>> -> memref<128x128xf32, #tpu.memory_space<hbm>>
    %dma_wait3A_265 = arith.constant 256 : i32
    %dma_wait3A_266 = arith.constant 0 : i32
    %dma_wait3A_267 = tpu.memref_slice %arg6[%dma_wait3A_265, %dma_wait3A_266] : memref<768x128xf32, #tpu.memory_space<vmem>> -> memref<128x128xf32, #tpu.memory_space<vmem>>
    tpu.wait_dma2 semaphore(%dma_wait3A_262 : memref<!tpu.dma_semaphore, #tpu.memory_space<semaphore_mem>>) src(%dma_wait3A_267 : memref<128x128xf32, #tpu.memory_space<vmem>>) dst(%dma_wait3A_264 : memref<128x128xf32, #tpu.memory_space<hbm>>)
    %add3A_268 = arith.constant 24960 : i32
    %add3A_269 = arith.addi %mul3A_4, %add3A_268 : i32
    %dma_wait3A_270 = arith.constant 3 : i32
    %dma_wait3A_271 = arith.constant 384 : i32
    %dma_wait3A_272 = arith.constant 0 : i32
    %dma_wait3A_273 = tpu.memref_slice %arg6[%dma_wait3A_271, %dma_wait3A_272] : memref<768x128xf32, #tpu.memory_space<vmem>> -> memref<128x128xf32, #tpu.memory_space<vmem>>
    %dma_wait3A_274 = arith.constant 0 : i32
    %dma_wait3A_275 = tpu.memref_slice %arg4[%add3A_269, %dma_wait3A_274] : memref<819200x128xf32, #tpu.memory_space<hbm>> -> memref<128x128xf32, #tpu.memory_space<hbm>>
    %dma_wait3A_276 = tpu.memref_slice %arg8[%dma_wait3A_270] : memref<6x!tpu.dma_semaphore, #tpu.memory_space<semaphore_mem>> -> memref<1x!tpu.dma_semaphore, #tpu.memory_space<semaphore_mem>>
    %dma_wait3A_277 = tpu.memref_squeeze %dma_wait3A_276 : memref<1x!tpu.dma_semaphore, #tpu.memory_space<semaphore_mem>> -> memref<!tpu.dma_semaphore, #tpu.memory_space<semaphore_mem>>
    %dma_wait3A_278 = arith.constant 0 : i32
    %dma_wait3A_279 = tpu.memref_slice %arg4[%add3A_269, %dma_wait3A_278] : memref<819200x128xf32, #tpu.memory_space<hbm>> -> memref<128x128xf32, #tpu.memory_space<hbm>>
    %dma_wait3A_280 = arith.constant 384 : i32
    %dma_wait3A_281 = arith.constant 0 : i32
    %dma_wait3A_282 = tpu.memref_slice %arg6[%dma_wait3A_280, %dma_wait3A_281] : memref<768x128xf32, #tpu.memory_space<vmem>> -> memref<128x128xf32, #tpu.memory_space<vmem>>
    tpu.wait_dma2 semaphore(%dma_wait3A_277 : memref<!tpu.dma_semaphore, #tpu.memory_space<semaphore_mem>>) src(%dma_wait3A_282 : memref<128x128xf32, #tpu.memory_space<vmem>>) dst(%dma_wait3A_279 : memref<128x128xf32, #tpu.memory_space<hbm>>)
    %add3A_283 = arith.constant 25088 : i32
    %add3A_284 = arith.addi %mul3A_4, %add3A_283 : i32
    %dma_wait3A_285 = arith.constant 4 : i32
    %dma_wait3A_286 = arith.constant 512 : i32
    %dma_wait3A_287 = arith.constant 0 : i32
    %dma_wait3A_288 = tpu.memref_slice %arg6[%dma_wait3A_286, %dma_wait3A_287] : memref<768x128xf32, #tpu.memory_space<vmem>> -> memref<128x128xf32, #tpu.memory_space<vmem>>
    %dma_wait3A_289 = arith.constant 0 : i32
    %dma_wait3A_290 = tpu.memref_slice %arg4[%add3A_284, %dma_wait3A_289] : memref<819200x128xf32, #tpu.memory_space<hbm>> -> memref<128x128xf32, #tpu.memory_space<hbm>>
    %dma_wait3A_291 = tpu.memref_slice %arg8[%dma_wait3A_285] : memref<6x!tpu.dma_semaphore, #tpu.memory_space<semaphore_mem>> -> memref<1x!tpu.dma_semaphore, #tpu.memory_space<semaphore_mem>>
    %dma_wait3A_292 = tpu.memref_squeeze %dma_wait3A_291 : memref<1x!tpu.dma_semaphore, #tpu.memory_space<semaphore_mem>> -> memref<!tpu.dma_semaphore, #tpu.memory_space<semaphore_mem>>
    %dma_wait3A_293 = arith.constant 0 : i32
    %dma_wait3A_294 = tpu.memref_slice %arg4[%add3A_284, %dma_wait3A_293] : memref<819200x128xf32, #tpu.memory_space<hbm>> -> memref<128x128xf32, #tpu.memory_space<hbm>>
    %dma_wait3A_295 = arith.constant 512 : i32
    %dma_wait3A_296 = arith.constant 0 : i32
    %dma_wait3A_297 = tpu.memref_slice %arg6[%dma_wait3A_295, %dma_wait3A_296] : memref<768x128xf32, #tpu.memory_space<vmem>> -> memref<128x128xf32, #tpu.memory_space<vmem>>
    tpu.wait_dma2 semaphore(%dma_wait3A_292 : memref<!tpu.dma_semaphore, #tpu.memory_space<semaphore_mem>>) src(%dma_wait3A_297 : memref<128x128xf32, #tpu.memory_space<vmem>>) dst(%dma_wait3A_294 : memref<128x128xf32, #tpu.memory_space<hbm>>)
    %add3A_298 = arith.constant 25216 : i32
    %add3A_299 = arith.addi %mul3A_4, %add3A_298 : i32
    %dma_wait3A_300 = arith.constant 5 : i32
    %dma_wait3A_301 = arith.constant 640 : i32
    %dma_wait3A_302 = arith.constant 0 : i32
    %dma_wait3A_303 = tpu.memref_slice %arg6[%dma_wait3A_301, %dma_wait3A_302] : memref<768x128xf32, #tpu.memory_space<vmem>> -> memref<128x128xf32, #tpu.memory_space<vmem>>
    %dma_wait3A_304 = arith.constant 0 : i32
    %dma_wait3A_305 = tpu.memref_slice %arg4[%add3A_299, %dma_wait3A_304] : memref<819200x128xf32, #tpu.memory_space<hbm>> -> memref<128x128xf32, #tpu.memory_space<hbm>>
    %dma_wait3A_306 = tpu.memref_slice %arg8[%dma_wait3A_300] : memref<6x!tpu.dma_semaphore, #tpu.memory_space<semaphore_mem>> -> memref<1x!tpu.dma_semaphore, #tpu.memory_space<semaphore_mem>>
    %dma_wait3A_307 = tpu.memref_squeeze %dma_wait3A_306 : memref<1x!tpu.dma_semaphore, #tpu.memory_space<semaphore_mem>> -> memref<!tpu.dma_semaphore, #tpu.memory_space<semaphore_mem>>
    %dma_wait3A_308 = arith.constant 0 : i32
    %dma_wait3A_309 = tpu.memref_slice %arg4[%add3A_299, %dma_wait3A_308] : memref<819200x128xf32, #tpu.memory_space<hbm>> -> memref<128x128xf32, #tpu.memory_space<hbm>>
    %dma_wait3A_310 = arith.constant 640 : i32
    %dma_wait3A_311 = arith.constant 0 : i32
    %dma_wait3A_312 = tpu.memref_slice %arg6[%dma_wait3A_310, %dma_wait3A_311] : memref<768x128xf32, #tpu.memory_space<vmem>> -> memref<128x128xf32, #tpu.memory_space<vmem>>
    tpu.wait_dma2 semaphore(%dma_wait3A_307 : memref<!tpu.dma_semaphore, #tpu.memory_space<semaphore_mem>>) src(%dma_wait3A_312 : memref<128x128xf32, #tpu.memory_space<vmem>>) dst(%dma_wait3A_309 : memref<128x128xf32, #tpu.memory_space<hbm>>)
    %add3A_313 = arith.constant 25344 : i32
    %add3A_314 = arith.addi %mul3A_4, %add3A_313 : i32
    %dma_wait3A_315 = arith.constant 0 : i32
    %dma_wait3A_316 = arith.constant 0 : i32
    %dma_wait3A_317 = arith.constant 0 : i32
    %dma_wait3A_318 = tpu.memref_slice %arg6[%dma_wait3A_316, %dma_wait3A_317] : memref<768x128xf32, #tpu.memory_space<vmem>> -> memref<128x128xf32, #tpu.memory_space<vmem>>
    %dma_wait3A_319 = arith.constant 0 : i32
    %dma_wait3A_320 = tpu.memref_slice %arg4[%add3A_314, %dma_wait3A_319] : memref<819200x128xf32, #tpu.memory_space<hbm>> -> memref<128x128xf32, #tpu.memory_space<hbm>>
    %dma_wait3A_321 = tpu.memref_slice %arg8[%dma_wait3A_315] : memref<6x!tpu.dma_semaphore, #tpu.memory_space<semaphore_mem>> -> memref<1x!tpu.dma_semaphore, #tpu.memory_space<semaphore_mem>>
    %dma_wait3A_322 = tpu.memref_squeeze %dma_wait3A_321 : memref<1x!tpu.dma_semaphore, #tpu.memory_space<semaphore_mem>> -> memref<!tpu.dma_semaphore, #tpu.memory_space<semaphore_mem>>
    %dma_wait3A_323 = arith.constant 0 : i32
    %dma_wait3A_324 = tpu.memref_slice %arg4[%add3A_314, %dma_wait3A_323] : memref<819200x128xf32, #tpu.memory_space<hbm>> -> memref<128x128xf32, #tpu.memory_space<hbm>>
    %dma_wait3A_325 = arith.constant 0 : i32
    %dma_wait3A_326 = arith.constant 0 : i32
    %dma_wait3A_327 = tpu.memref_slice %arg6[%dma_wait3A_325, %dma_wait3A_326] : memref<768x128xf32, #tpu.memory_space<vmem>> -> memref<128x128xf32, #tpu.memory_space<vmem>>
    tpu.wait_dma2 semaphore(%dma_wait3A_322 : memref<!tpu.dma_semaphore, #tpu.memory_space<semaphore_mem>>) src(%dma_wait3A_327 : memref<128x128xf32, #tpu.memory_space<vmem>>) dst(%dma_wait3A_324 : memref<128x128xf32, #tpu.memory_space<hbm>>)
    %add3A_328 = arith.constant 25472 : i32
    %add3A_329 = arith.addi %mul3A_4, %add3A_328 : i32
    %dma_wait3A_330 = arith.constant 1 : i32
    %dma_wait3A_331 = arith.constant 128 : i32
    %dma_wait3A_332 = arith.constant 0 : i32
    %dma_wait3A_333 = tpu.memref_slice %arg6[%dma_wait3A_331, %dma_wait3A_332] : memref<768x128xf32, #tpu.memory_space<vmem>> -> memref<128x128xf32, #tpu.memory_space<vmem>>
    %dma_wait3A_334 = arith.constant 0 : i32
    %dma_wait3A_335 = tpu.memref_slice %arg4[%add3A_329, %dma_wait3A_334] : memref<819200x128xf32, #tpu.memory_space<hbm>> -> memref<128x128xf32, #tpu.memory_space<hbm>>
    %dma_wait3A_336 = tpu.memref_slice %arg8[%dma_wait3A_330] : memref<6x!tpu.dma_semaphore, #tpu.memory_space<semaphore_mem>> -> memref<1x!tpu.dma_semaphore, #tpu.memory_space<semaphore_mem>>
    %dma_wait3A_337 = tpu.memref_squeeze %dma_wait3A_336 : memref<1x!tpu.dma_semaphore, #tpu.memory_space<semaphore_mem>> -> memref<!tpu.dma_semaphore, #tpu.memory_space<semaphore_mem>>
    %dma_wait3A_338 = arith.constant 0 : i32
    %dma_wait3A_339 = tpu.memref_slice %arg4[%add3A_329, %dma_wait3A_338] : memref<819200x128xf32, #tpu.memory_space<hbm>> -> memref<128x128xf32, #tpu.memory_space<hbm>>
    %dma_wait3A_340 = arith.constant 128 : i32
    %dma_wait3A_341 = arith.constant 0 : i32
    %dma_wait3A_342 = tpu.memref_slice %arg6[%dma_wait3A_340, %dma_wait3A_341] : memref<768x128xf32, #tpu.memory_space<vmem>> -> memref<128x128xf32, #tpu.memory_space<vmem>>
    tpu.wait_dma2 semaphore(%dma_wait3A_337 : memref<!tpu.dma_semaphore, #tpu.memory_space<semaphore_mem>>) src(%dma_wait3A_342 : memref<128x128xf32, #tpu.memory_space<vmem>>) dst(%dma_wait3A_339 : memref<128x128xf32, #tpu.memory_space<hbm>>)
    return
  }
}

</mosaic_0001>

<sc_bundles>
// kernel: kernel.3.cloned.1.call-start
scs
__scs_entry_jumppad:
0x0: {  	(pc) =	sbr.rel $0x88, $3  }
0x1: {  	(tag) =	ssettag $0x0;
	lr =	simm.s32 $0x1  }
0x2: {  	[smem:$0x3F9F] =	sst lr;
	_ =	strace $0xD0000000  }
0x3: {  	_ = 	snop  }
0x4: {  	_ = 	snop  }
0x5: {  	_ = 	snop  }
0x6: {  	_ = 	snop  }
0x7: {  	_ = 	snop  }
__scs_overlays_trampoline_lowered:
0x8: {  	[smem:$0x3FAE] =	sst s0  }
0x9: {  	[smem:$0x3FAF] =	sst s1  }
0xa: {  	[smem:$0x3FB0] =	sst s2  }
0xb: {  	[smem:$0x3FB1] =	sst s3  }
0xc: {  	[smem:$0x3FB2] =	sst s4  }
0xd: {  	[smem:$0x3FB3] =	sst s5  }
0xe: {  	[smem:$0x3FB4] =	sst s6  }
0xf: {  	[smem:$0x3FB5] =	sst s7  }
0x10: {  	[smem:$0x3FB6] =	sst s8  }
0x11: {  	[smem:$0x3FB7] =	sst s9;
	s0 =	simm.s32 @!p0 $0x0  }
0x12: {  	s1 =	sld [smem:$0x3F9D];
	s0 =	simm.s32 @p0 $0x1  }
0x13: {  	[smem:$0x3FB8] =	sst s0;
	s0 =	simm.s32 @!p1 $0x0  }
0x14: {  	s2 =	sld [smem:$0x3F9C];
	s0 =	simm.s32 @p1 $0x1  }
0x15: {  	[smem:$0x3FB9] =	sst s0;
	s0 =	simm.s32 @!p2 $0x0  }
0x16: {  	s3 =	sld [smem:$0x3FDB];
	s0 =	simm.s32 @p2 $0x1  }
0x17: {  	s4 =	simm.s32 $0x1BF5;
	[smem:$0x3FBB] =	sst s0  }
0x18: {  	s0 =	sld [smem:$0x3F9E];
	_ =	swait.ge [sflag:s4], $0x0  }
0x19: {  	s7 =	sld [smem:$0x3F9F]  }
0x1a: {  	s8 =	sadd.s32 $0xFFFFE003, lr  }
0x1b: {  	s9 =	sadd.s32 $0xFFFFFEF7, lr;
	s5 =	simm.s32 $0xFFFFFFFF;
	p2 =	slt.u32 s8, $0xFFFFF086  }
0x1c: {  	p1 =	slt.u32 s9, $0xF7A;
	s5 =	simm.s32 @!p2 $0x0  }
0x1d: {  	s5 =	simm.s32 @p1 $0x1;
	p0 =	seq.s32 s7, s2  }
0x1e: {  	s7 =	smul.u32 @!p0 $0xF7A, s2;
	p2 =	seq.s32 @!p0 s5, $0x0  }
0x1f: {  	s9 =	smul.u32 $0xF7A, s1;
	s8 =	simm.s32 @!p0 $0x1BF5;
	p2 =	por !p2, p0  }
0x20: {  	[sflag:s8] =	ssyncset.s32 @!p0 $0xFFFFF086;
	s6 =	sadd.s32 @!p0 s3, s7;
	s7 =	simm.s32 @!p0 $0x108  }
0x21: {  	s3 =	sadd.s32 s3, s9;
	s6 =	sadd.s32 @!p0 $0x88, s6;
	s7 =	simm.s32 @p2 $0x1082  }
0x22: {  	[simem:s7], [sflag:s8] =	dma.local @!p0 [hbm:s6], $0xF7A  }
0x23: {  	s9 =	sor.u32 $0xD0000000, s2;
	s6 =	simm.s32 $0x108;
	_ =	swait.ge @!p0 [sflag:s8], $0x0  }
0x24: {  	s3 =	sadd.s32 $0x88, s3;
	s6 =	simm.s32 @!p1 $0x1082;
	[sflag:s4] =	ssyncset.s32 $0xFFFFF086  }
0x25: {  	[simem:s6], [sflag:s4] =	dma.local [hbm:s3], $0xF7A  }
0x26: {  	[smem:$0x3F9F] =	sst s1;
	(tag) =	ssettag s2;
	_ =	strace s9  }
0x27: {  	s1 =	sld [smem:$0x3FAF]  }
0x28: {  	s2 =	sld [smem:$0x3FB0]  }
0x29: {  	s4 =	sld [smem:$0x3FB2]  }
0x2a: {  	p0 =	seq.s32 s5, $0x0;
	s5 =	sld [smem:$0x3FB3]  }
0x2b: {  	s6 =	sld [smem:$0x3FB4]  }
0x2c: {  	s7 =	sld [smem:$0x3FB5]  }
0x2d: {  	s3 =	simm.s32 $0x108;
	s8 =	sld [smem:$0x3FB6]  }
0x2e: {  	s3 =	simm.s32 @!p0 $0x1082;
	s9 =	sld [smem:$0x3FB7]  }
0x2f: {  	lr =	sadd.s32 s0, s3;
	s0 =	sld [smem:$0x3FAE]  }
0x30: {  	s3 =	sld [smem:$0x3FB1]  }
0x31: {  	[smem:$0x3FBA] =	sst s10  }
0x32: {  	s10 =	sld [smem:$0x3FB8];
	_ =	sdelay $0x3  }
0x33: {  	p0 =	seq.s32 s10, $0x1;
	s10 =	sld [smem:$0x3FBA];
	_ =	sdelay $0x3  }
0x34: {  	[smem:$0x3FBA] =	sst s10  }
0x35: {  	s10 =	sld [smem:$0x3FB9];
	_ =	sdelay $0x3  }
0x36: {  	p1 =	seq.s32 s10, $0x1;
	s10 =	sld [smem:$0x3FBA];
	_ =	sdelay $0x3  }
0x37: {  	[smem:$0x3FBA] =	sst s10  }
0x38: {  	s10 =	sld [smem:$0x3FBB]  }
0x39: {  	_ = 	snop;
	(pc) =	sbr.ind lr, $3  }
0x3a: {  	_ = 	snop  }
0x3b: {  	_ = 	snop  }
0x3c: {  	p2 =	seq.s32 s10, $0x1;
	s10 =	sld [smem:$0x3FBA]  }
0x3d: {  	_ =	shalt  }
0x3e: {  	_ =	shalt  }
0x3f: {  	_ =	shalt  }
0x40: {  	_ =	shalt  }
0x41: {  	_ =	shalt  }
0x42: {  	_ =	shalt  }
0x43: {  	_ =	shalt  }
0x44: {  	_ =	shalt  }
0x45: {  	_ =	shalt  }
0x46: {  	_ =	shalt  }
0x47: {  	_ =	shalt  }
0x48: {  	_ =	shalt  }
0x49: {  	_ =	shalt  }
0x4a: {  	_ =	shalt  }
0x4b: {  	_ =	shalt  }
0x4c: {  	_ =	shalt  }
0x4d: {  	_ =	shalt  }
0x4e: {  	_ =	shalt  }
0x4f: {  	_ =	shalt  }
0x50: {  	_ =	shalt  }
0x51: {  	_ =	shalt  }
0x52: {  	_ =	shalt  }
0x53: {  	_ =	shalt  }
0x54: {  	_ =	shalt  }
0x55: {  	_ =	shalt  }
0x56: {  	_ =	shalt  }
0x57: {  	_ =	shalt  }
0x58: {  	_ =	shalt  }
0x59: {  	_ =	shalt  }
0x5a: {  	_ =	shalt  }
0x5b: {  	_ =	shalt  }
0x5c: {  	_ =	shalt  }
0x5d: {  	_ =	shalt  }
0x5e: {  	_ =	shalt  }
0x5f: {  	_ =	shalt  }
0x60: {  	_ =	shalt  }
0x61: {  	_ =	shalt  }
0x62: {  	_ =	shalt  }
0x63: {  	_ =	shalt  }
0x64: {  	_ =	shalt  }
0x65: {  	_ =	shalt  }
0x66: {  	_ =	shalt  }
0x67: {  	_ =	shalt  }
0x68: {  	_ =	shalt  }
0x69: {  	_ =	shalt  }
0x6a: {  	_ =	shalt  }
0x6b: {  	_ =	shalt  }
0x6c: {  	_ =	shalt  }
0x6d: {  	_ =	shalt  }
0x6e: {  	_ =	shalt  }
0x6f: {  	_ =	shalt  }
0x70: {  	_ =	shalt  }
0x71: {  	_ =	shalt  }
0x72: {  	_ =	shalt  }
0x73: {  	_ =	shalt  }
0x74: {  	_ =	shalt  }
0x75: {  	_ =	shalt  }
0x76: {  	_ =	shalt  }
0x77: {  	_ =	shalt  }
0x78: {  	_ =	shalt  }
0x79: {  	_ =	shalt  }
0x7a: {  	_ =	shalt  }
0x7b: {  	_ =	shalt  }
0x7c: {  	_ =	shalt  }
0x7d: {  	_ =	shalt  }
0x7e: {  	_ =	shalt  }
0x7f: {  	_ =	shalt  }
0x80: {  	_ =	shalt  }
0x81: {  	_ =	shalt  }
0x82: {  	_ =	shalt  }
0x83: {  	_ =	shalt  }
0x84: {  	_ =	shalt  }
0x85: {  	_ =	shalt  }
0x86: {  	_ =	shalt  }
0x87: {  	_ =	shalt  }
.Lfunc_end0:
.L_simem_size_0:
called_computation_lowered:
.L_overlay_start_0:
0x88: {  	s2 =	sld [smem:$0x3FD9]  }
0x89: {  	s3 =	sld [smem:$0x3FFE];
	_ =	sdelay $0x1  }
0x8a: {  	s1 =	srdreg.scid  }
0x8b: {  	s0 =	sand.u32 $0x1, s1  }
0x8c: {  	s17 =	sshll.u32 s0, $0xA;
	s2 =	sadd.s32 s3, s2  }
0x8d: {  	s2 =	sadd.s32 s2, s17  }
0x8e: {  	[smem:$0x3FC6] =	sst s2  }
0x8f: {  	_ = 	snop  }
0x90: {  	s2 =	sld [smem:$0x3FC8]  }
0x91: {  	s18 =	sld [smem:$0x3FD0];
	(tm) =	ssettm $0x1  }
0x92: {  	s4 =	sld [smem:$0x3FFB];
	_ =	sdelay $0x3  }
0x93: {  	_ =	strace s4  }
0x94: {  	s4 =	sld [smem:$0x3FFC];
	_ =	sdelay $0x3  }
0x95: {  	_ =	strace s4  }
0x96: {  	s4 =	sld [smem:$0x3FFD];
	_ =	sdelay $0x3  }
0x97: {  	_ =	strace s4  }
0x98: {  	_ =	strace $0x8FFFFFFF  }
0x99: {  	s19 =	sld [smem:$0x3FDB];
	_ =	sdelay $0x1  }
0x9a: {  	s5 =	simm.s32 $_scs_section_size  }
0x9b: {  	s6 =	simm.s32 $_size__tile_overlayer_lowered;
	s7 =	simm.s32 $_tile_overlayer_lowered  }
0x9c: {  	s22 =	simm.s32 $0x1BFF;
	s21 =	sshll.u32 s7, $0x1;
	s4 =	sadd.s32 s5, s19  }
0x9d: {  	s8 =	simm.s32 $0x0;
	s20 =	sshll.u32 s6, $0x1;
	s6 =	sadd.s32 s21, s4  }
0x9e: {  	[timem:s8], [sflag:s22] =	dma.local [hbm:s6], s20  }
0x9f: {  	_ =	swait.ge [sflag:s22], s20  }
0xa0: {  	s5 =	ssub.s32 $0x0, s20;
	[sflag:s22] =	ssyncset.done $0x0  }
0xa1: {  	[sflag:s22] =	ssyncadd.s32 s5;
	_ =	sdelay $0x1  }
0xa2: {  	s23 =	simm.s32 $0x1B8B  }
0xa3: {  	_ =	swait.ge [sflag:s23], $0x1  }
0xa4: {  	[sflag:s23] =	ssyncset.done $0x0  }
0xa5: {  	s25 =	simm.s32 $0x1B8E;
	s24 =	sld [smem:$0x3FFE];
	[sflag:s23] =	ssyncadd.s32 $0xFFFFFFFF  }
0xa6: {  	s26 =	simm.s32 $execute0_lowered;
	[smem:$0x3FD2] =	sst s25  }
0xa7: {  	s6 =	sshll.u32 s26, $0x1;
	_ =	strace $0x80000046;
	[dreg:$0x1] =	wrdreg $0xFFFFFFFF  }
0xa8: {  	s28 =	simm.s32 $_size_execute0_lowered;
	s4 =	sadd.s32 s4, s6;
	[dreg:$0x0] =	wrdreg $0x0  }
0xa9: {  	s6 =	sshll.u32 s28, $0x1;
	[dreg:$0x2] =	wrdreg s4  }
0xaa: {  	[dreg:$0x3] =	wrdreg s6  }
0xab: {  	[dreg:$0x4] =	wrdreg $0xC0  }
0xac: {  	_ =	task [dreg:s8], $0x5FFFF  }
0xad: {  	[dreg:$0x1] =	wrdreg $0xFFFFFFFF  }
0xae: {  	[dreg:$0x0] =	wrdreg $0x60  }
0xaf: {  	[dreg:$0x2] =	wrdreg s24  }
0xb0: {  	[dreg:$0x3] =	wrdreg s2  }
0xb1: {  	[dreg:$0x4] =	wrdreg s18  }
0xb2: {  	[dreg:$0x5] =	wrdreg $0x9  }
0xb3: {  	_ =	task.clear_ibuf [dreg:s8], $0x6FFFF;
	_ =	strace $0x90000046  }
0xb4: {  	s29 =	simm.s32 $0x9;
	_ =	strace $0x80000048  }
0xb5: {  	_ =	swait.ge [sflag:s29], $0x1  }
0xb6: {  	[sflag:s29] =	ssyncadd.s32 $0xFFFFFFFF  }
0xb7: {  	_ =	strace $0x90000048  }
0xb8: {  	_ =	sfence  }
0xb9: {  	s30 =	sld [smem:$0x0];
	_ =	sdelay $0x2  }
0xba: {  	s31 =	sshll.u32 s1, $0xD;
	s1 =	sshrl.u32 s1, $0x2  }
0xbb: {  	s3 =	sand.u32 $0x4000, s31;
	s1 =	sadd.s32 s1, s30  }
0xbc: {  	s0 =	sor.u32 s3, s0;
	s1 =	sshll.u32 s1, $0x11  }
0xbd: {  	s0 =	sor.u32 s1, s0  }
0xbe: {  	s0 =	sadd.s32 $0x8F2B, s0  }
0xbf: {  	[sflag:s0] =	ssyncadd.remote.s32 $0x1  }
0xc0: {  	_ =	sfence.sel $0xFFFF  }
0xc1: {  	[dreg:$0x0] =	wrdreg $0xFFFFFFFF;
	(pc) =	sbr.abs _section_cstart, $3  }
0xc2: {  	[dreg:$0x1] =	wrdreg $0xFFFFFFFF  }
0xc3: {  	_ =	task.clear_ibuf [dreg:s8], $0x2FFFF;
	_ =	strace $0x9FFFFFFF  }
0xc4: {  	(tm) =	ssettm $0x7FFFFFFF  }
0xc5: {  	_ =	shalt  }
tec
execute0_lowered:
.L_overlay_start_1:
0x0: {  	(tag) =	ssettag $0x1  }
0x1: {  	s0 =	srdreg.scid;
	s1 =	rddreg [dreg:$0x0]  }
0x2: {  	s9 =	stileid.u32;
	s2 =	rddreg [dreg:$0x1]  }
0x3: {  	s5 =	rddreg [dreg:$0x2];
	s13 =	simm.s32 $0xD;
	s14 =	simm.s32 $0x80  }
0x4: {  	s15 =	simm.s32 $0x6400;
	s28 =	simm.s32 $0x5;
	s29 =	simm.s32 $0x6  }
0x5: {  	s0 =	sand.u32 $0x1, s0;
	s3 =	sshll.u32 s9, $0x1;
	s9 =	smul.u32 $0x640000, s9  }
0x6: {  	s4 =	sor.u32 s0, s3;
	s8 =	ssub.s32 $0x2, s0;
	s0 =	smul.u32 $0x320000, s0  }
0x7: {  	s30 =	simm.s32 $0x2;
	s31 =	simm.s32 $0x9;
	s6 =	smul.u32 $0xC80, s4  }
0x8: {  	s17 =	simm.s32 $0xC;
	s3 =	simm.s32 $0x0;
	s7 =	smul.u32 $0x64000, s4  }
0x9: {  	s18 =	simm.s32 $0x7;
	[smem:$0x7FF] =	sst s3;
	s4 =	smul.u32 $0x320000, s4  }
0xa: {  	s19 =	sshrl.u32 s8, $0x1;
	_ =	strace $0x80000047;
	s0 =	sadd.s32 s0, s9  }
0xb: {  	s1 =	sadd.s32 s6, s1;
	s6 =	ssub.s32 s8, s19;
	s20 =	sshrl.u32 s4, $0x3  }
0xc: {  	s21 =	sadd.s32 s5, s7;
	s0 =	sor.u32 $0x4000, s0;
	s7 =	simm.s32 $0x16400  }
0xd: {  	s8 =	simm.s32 $0x1A400;
	s19 =	simm.s32 $0x8;
	s1 =	sadd.s32 $0x400, s1  }
0xe: {  	[dreg:$0x5] =	wrdreg s21;
	s0 =	sshrl.u32 s0, $0x3;
	s26 =	smax.u32 s6, $0x1  }
0xf: {  	s6 =	simm.s32 $0x12400;
	[dreg:$0x4] =	wrdreg s1;
	s1 =	sadd.s32 s5, s20  }
0x10: {  	s21 =	simm.s32 $0x0;
	[dreg:$0xb] =	wrdreg s26;
	s22 =	sadd.s32 $0x61800, s1  }
0x11: {  	s12 =	sadd.s32 s0, s5;
	s23 =	sadd.s32 $0x62000, s1;
	[dreg:$0x6] =	wrdreg s22  }
0x12: {  	s5 =	simm.s32 $0xA400;
	s24 =	sadd.s32 $0x62800, s1;
	[dreg:$0x7] =	wrdreg s23  }
0x13: {  	s26 =	simm.s32 $0x4;
	s25 =	sadd.s32 $0x63000, s1;
	[dreg:$0x8] =	wrdreg s24  }
0x14: {  	s0 =	simm.s32 $0xB;
	s1 =	sadd.s32 $0x63800, s1;
	[dreg:$0x9] =	wrdreg s25  }
0x15: {  	[dreg:$0xa] =	wrdreg s1;
	s23 =	simm.s32 $0x1;
	s1 =	simm.s32 $0xA  }
.LBB2_1:
0x16: {  	s4 =	rddreg [dreg:$0x4]  }
0x17: {  	[tilespmem:s3], [sflag:$0xD] =	stream.linear.gather [hbm4b:s4+s3], $0x6400, $0x38;
	[tilespmem:$0x1E400] =	vst v63  }
0x18: {  	_ =	swait.ge [sflag:s13], $0x6400  }
0x19: {  	[sflag:s13] =	ssyncset.done $0x0  }
0x1a: {  	[sflag:s13] =	ssyncadd.s32 $0xFFFF9C00  }
0x1b: {  	[tilespmem:s15], [sflag:$0x1] =	stream.indirect.gather [hbm4b:s2+s14], $0x80, s3, s14, $0xb8;
	[tilespmem:$0x1E400] =	vst v63  }
0x1c: {  	_ = 	snop  }
0x1d: {  	[tilespmem:s5], [sflag:$0x2] =	stream.indirect.gather [hbm4b:s2+s14], $0x80, s14, s14, $0xb8;
	[tilespmem:$0x1E400] =	vst v63  }
0x1e: {  	s22 =	simm.s32 $0x100;
	s24 =	simm.s32 $0xE400  }
0x1f: {  	[tilespmem:s24], [sflag:$0x3] =	stream.indirect.gather [hbm4b:s2+s14], $0x80, s22, s14, $0xb8;
	[tilespmem:$0x1E400] =	vst v63  }
0x20: {  	s25 =	simm.s32 $0x180  }
0x21: {  	[tilespmem:s6], [sflag:$0x4] =	stream.indirect.gather [hbm4b:s2+s14], $0x80, s25, s14, $0xb8;
	[tilespmem:$0x1E400] =	vst v63  }
0x22: {  	s6 =	simm.s32 $0x1  }
0x23: {  	s5 =	simm.s32 $0x200;
	s4 =	sand.u32 $0xFF, s6  }
0x24: {  	[tilespmem:s7], [sflag:$0x5] =	stream.indirect.gather [hbm4b:s2+s14], $0x80, s5, s14, $0xb8;
	[tilespmem:$0x1E400] =	vst v63  }
0x25: {  	s9 =	sand.u32 $0xFF, s29;
	s4 =	smul.u32 $0xAB, s4  }
0x26: {  	s5 =	smul.u32 $0xAB, s9;
	_ =	swait.ge [sflag:s23], $0x4000  }
0x27: {  	[sflag:s23] =	ssyncset.done $0x0;
	s7 =	rddreg [dreg:$0x5];
	s4 =	sshrl.u32 s4, $0xA  }
0x28: {  	s5 =	sshrl.u32 s5, $0xA;
	[sflag:s23] =	ssyncadd.s32 $0xFFFFC000;
	s4 =	smul.u32 $0x6, s4  }
0x29: {  	[hbm4b:s7+s3] =	stream.linear.scatter [tilespmem:s15], [sflag:$0x7], $0x4000, $0x38;
	[tilespmem:$0x1E400] =	vst v63  }
0x2a: {  	s10 =	simm.s32 $0x280;
	s5 =	smul.u32 $0x6, s5;
	s11 =	ssub.s32 $0x1, s4  }
0x2b: {  	[tilespmem:s8], [sflag:$0x6] =	stream.indirect.gather [hbm4b:s2+s14], $0x80, s10, s14, $0xb8;
	[tilespmem:$0x1E400] =	vst v63  }
0x2c: {  	s24 =	simm.s32 $0x300;
	s6 =	simm.s32 $0x2;
	s16 =	sand.u32 $0xFF, s11  }
0x2d: {  	s9 =	simm.s32 $0x8;
	s5 =	ssub.s32 $0x6, s5;
	s10 =	sadd.s32 $0x1, s16  }
0x2e: {  	s25 =	sand.u32 $0xFF, s6;
	s7 =	sand.u32 $0xFF, s5;
	_ =	swait.ge [sflag:s10], $0x4000  }
0x2f: {  	s20 =	sshll.u32 s16, $0xE;
	s22 =	sadd.s32 $0x7, s16;
	[sflag:s10] =	ssyncset.done $0x0  }
0x30: {  	s11 =	sadd.s32 $0x6400, s20;
	[sflag:s10] =	ssyncadd.s32 $0xFFFFC000;
	s10 =	sadd.s32 $0x7, s7  }
0x31: {  	[hbm4b:s12+s3] =	stream.linear.scatter [tilespmem:s11], [sflag:s22], $0x4000, $0x38;
	[tilespmem:$0x1E400] =	vst v63  }
0x32: {  	s4 =	simm.s32 $0x7;
	s5 =	sadd.s32 $0x800, s12;
	_ =	swait.ge [sflag:s10], $0x4000  }
0x33: {  	s8 =	sshll.u32 s7, $0xE;
	s11 =	smul.u32 $0xAB, s25;
	[sflag:s10] =	ssyncset.done $0x0  }
.LBB2_2:
0x34: {  	[sflag:s10] =	ssyncadd.s32 $0xFFFFC000;
	s16 =	smov.u32 s9  }
0x35: {  	s20 =	sadd.s32 $0x1, s9;
	s10 =	smov.u32 s24;
	s24 =	sadd.s32 $0x80, s24  }
0x36: {  	s8 =	sadd.s32 $0x6400, s8;
	s7 =	sadd.s32 $0x1, s7;
	s11 =	sshrl.u32 s11, $0xA  }
0x37: {  	p0 =	sne.s32 s9, $0xC7;
	s9 =	smul.u32 $0x6, s11;
	s11 =	sand.u32 $0xFF, s4  }
0x38: {  	s11 =	smul.u32 $0xAB, s11  }
0x39: {  	s9 =	ssub.s32 s6, s9  }
0x3a: {  	s6 =	sadd.s32 $0xFFFFFFFB, s16;
	s9 =	sand.u32 $0xFF, s9;
	s11 =	sshrl.u32 s11, $0xA  }
0x3b: {  	s22 =	sadd.s32 $0x1, s9;
	s25 =	sshll.u32 s9, $0xE;
	s11 =	smul.u32 $0x6, s11  }
0x3c: {  	[tilespmem:s8], [sflag:s7] =	stream.indirect.gather [hbm4b:s2+s14], $0x80, s10, s14, $0xb8;
	[tilespmem:$0x1E400] =	vst v63  }
0x3d: {  	s25 =	sadd.s32 $0x6400, s25;
	_ =	swait.ge [sflag:s22], $0x4000;
	s4 =	ssub.s32 s4, s11  }
0x3e: {  	s9 =	sadd.s32 $0x7, s9;
	[sflag:s22] =	ssyncset.done $0x0  }
.Ltmp0:
0x3f: {  	s7 =	sand.u32 $0xFF, s4;
	s4 =	smov.u32 s16;
	(pc) =	sbr.rel @p0 .LBB2_2-.Ltmp0, $4  }
0x40: {  	[sflag:s22] =	ssyncadd.s32 $0xFFFFC000;
	s10 =	sadd.s32 $0x7, s7;
	s8 =	sshll.u32 s7, $0xE  }
0x41: {  	[hbm4b:s5+s3] =	stream.linear.scatter [tilespmem:s25], [sflag:s9], $0x4000, $0x38;
	[tilespmem:$0x1E400] =	vst v63  }
0x42: {  	s9 =	sand.u32 $0xFF, s6;
	s5 =	sadd.s32 $0x800, s5;
	_ =	swait.ge [sflag:s10], $0x4000  }
0x43: {  	s11 =	smul.u32 $0xAB, s9;
	s9 =	smov.u32 s20;
	[sflag:s10] =	ssyncset.done $0x0  }
0x44: {  	[sflag:s10] =	ssyncadd.s32 $0xFFFFC000  }
0x45: {  	s8 =	sadd.s32 $0x6400, s8;
	s7 =	sadd.s32 $0x1, s7;
	s9 =	sshrl.u32 s11, $0xA  }
0x46: {  	[tilespmem:s8], [sflag:s7] =	stream.indirect.gather [hbm4b:s2+s14], $0x80, s24, s14, $0xb8;
	[tilespmem:$0x1E400] =	vst v63  }
0x47: {  	s20 =	sand.u32 $0xFF, s4;
	s9 =	smul.u32 $0x6, s9  }
0x48: {  	s7 =	smul.u32 $0xAB, s20  }
0x49: {  	s6 =	ssub.s32 s6, s9  }
0x4a: {  	s7 =	sshrl.u32 s7, $0xA;
	s6 =	sand.u32 $0xFF, s6  }
0x4b: {  	s7 =	smul.u32 $0x6, s7;
	s22 =	sadd.s32 $0x1, s6  }
0x4c: {  	s25 =	sshll.u32 s6, $0xE;
	_ =	swait.ge [sflag:s22], $0x4000  }
0x4d: {  	s6 =	sadd.s32 $0x7, s6;
	s7 =	ssub.s32 s4, s7;
	[sflag:s22] =	ssyncset.done $0x0  }
0x4e: {  	s8 =	sadd.s32 $0x6400, s25;
	s4 =	sand.u32 $0xFF, s7;
	[sflag:s22] =	ssyncadd.s32 $0xFFFFC000  }
0x4f: {  	[hbm4b:s5+s3] =	stream.linear.scatter [tilespmem:s8], [sflag:s6], $0x4000, $0x38;
	[tilespmem:$0x1E400] =	vst v63  }
0x50: {  	s8 =	sadd.s32 $0x7, s4  }
0x51: {  	_ =	swait.ge [sflag:s8], $0x4000  }
0x52: {  	s10 =	sadd.s32 $0x80, s24;
	s9 =	sshll.u32 s4, $0xE;
	[sflag:s8] =	ssyncset.done $0x0  }
0x53: {  	s5 =	sadd.s32 $0x6400, s9;
	s4 =	sadd.s32 $0x1, s4;
	[sflag:s8] =	ssyncadd.s32 $0xFFFFC000  }
0x54: {  	[tilespmem:s5], [sflag:s4] =	stream.indirect.gather [hbm4b:s2+s14], $0x80, s10, s14, $0xb8;
	[tilespmem:$0x1E400] =	vst v63  }
0x55: {  	_ =	swait.ge [sflag:s26], $0x4000  }
0x56: {  	[sflag:s26] =	ssyncset.done $0x0  }
0x57: {  	s6 =	simm.s32 $0x12400;
	s11 =	rddreg [dreg:$0x6];
	[sflag:s26] =	ssyncadd.s32 $0xFFFFC000  }
0x58: {  	[hbm4b:s11+s3] =	stream.linear.scatter [tilespmem:s6], [sflag:$0xA], $0x4000, $0x38;
	[tilespmem:$0x1E400] =	vst v63  }
0x59: {  	_ =	swait.ge [sflag:s28], $0x4000  }
0x5a: {  	[sflag:s28] =	ssyncset.done $0x0  }
0x5b: {  	s7 =	simm.s32 $0x16400;
	s16 =	rddreg [dreg:$0x7];
	[sflag:s28] =	ssyncadd.s32 $0xFFFFC000  }
0x5c: {  	[hbm4b:s16+s3] =	stream.linear.scatter [tilespmem:s7], [sflag:$0xB], $0x4000, $0x38;
	[tilespmem:$0x1E400] =	vst v63  }
0x5d: {  	_ =	swait.ge [sflag:s29], $0x4000  }
0x5e: {  	[sflag:s29] =	ssyncset.done $0x0  }
0x5f: {  	s8 =	simm.s32 $0x1A400;
	s20 =	rddreg [dreg:$0x8];
	[sflag:s29] =	ssyncadd.s32 $0xFFFFC000  }
0x60: {  	[hbm4b:s20+s3] =	stream.linear.scatter [tilespmem:s8], [sflag:$0xC], $0x4000, $0x38;
	[tilespmem:$0x1E400] =	vst v63  }
0x61: {  	_ =	swait.ge [sflag:s23], $0x4000  }
0x62: {  	[sflag:s23] =	ssyncset.done $0x0  }
0x63: {  	s22 =	rddreg [dreg:$0x9];
	[sflag:s23] =	ssyncadd.s32 $0xFFFFC000  }
0x64: {  	[hbm4b:s22+s3] =	stream.linear.scatter [tilespmem:s15], [sflag:$0x7], $0x4000, $0x38;
	[tilespmem:$0x1E400] =	vst v63  }
0x65: {  	_ =	swait.ge [sflag:s30], $0x4000  }
0x66: {  	[sflag:s30] =	ssyncset.done $0x0  }
0x67: {  	s5 =	simm.s32 $0xA400;
	s24 =	rddreg [dreg:$0xa];
	[sflag:s30] =	ssyncadd.s32 $0xFFFFC000  }
0x68: {  	[hbm4b:s24+s3] =	stream.linear.scatter [tilespmem:s5], [sflag:$0x8], $0x4000, $0x38;
	[tilespmem:$0x1E400] =	vst v63  }
0x69: {  	_ =	swait.ge [sflag:s31], $0x4000  }
0x6a: {  	[sflag:s31] =	ssyncset.done $0x0  }
0x6b: {  	[sflag:s31] =	ssyncadd.s32 $0xFFFFC000  }
0x6c: {  	_ =	swait.ge [sflag:s1], $0x4000  }
0x6d: {  	[sflag:s1] =	ssyncset.done $0x0  }
0x6e: {  	[sflag:s1] =	ssyncadd.s32 $0xFFFFC000  }
0x6f: {  	_ =	swait.ge [sflag:s0], $0x4000  }
0x70: {  	[sflag:s0] =	ssyncset.done $0x0  }
0x71: {  	[sflag:s0] =	ssyncadd.s32 $0xFFFFC000  }
0x72: {  	_ =	swait.ge [sflag:s17], $0x4000  }
0x73: {  	[sflag:s17] =	ssyncset.done $0x0  }
0x74: {  	[sflag:s17] =	ssyncadd.s32 $0xFFFFC000  }
0x75: {  	_ =	swait.ge [sflag:s18], $0x4000  }
0x76: {  	[sflag:s18] =	ssyncset.done $0x0  }
0x77: {  	[sflag:s18] =	ssyncadd.s32 $0xFFFFC000  }
0x78: {  	_ =	swait.ge [sflag:s19], $0x4000  }
0x79: {  	s21 =	sadd.s32 $0x1, s21;
	s25 =	rddreg [dreg:$0xb]  }
0x7a: {  	p0 =	sne.s32 s21, s25  }
.Ltmp1:
0x7b: {  	_ = 	snop;
	(pc) =	sbr.rel @p0 .LBB2_1-.Ltmp1, $3  }
0x7c: {  	_ =	sdelay $0x1  }
0x7d: {  	[sflag:s19] =	ssyncset.done $0x0  }
0x7e: {  	[sflag:s19] =	ssyncadd.s32 $0xFFFFC000  }
0x7f: {  	_ =	sfence.sel $0x180000  }
0x80: {  	[bflag:$0x0] =	sbarrier.arrive $0xFFFF  }
0x81: {  	_ =	strace $0x90000047  }
0x82: {  	s0 =	stileid.u32;
	[bflag:$0x2] =	sbarrier.arrive $0xFFFF  }
0x83: {  	p0 =	sne.s32 s0, $0x0;
	s0 =	rddreg [dreg:$0x3]  }
0x84: {  	s0 =	sadd.s32 @!p0 $0x100000, s0  }
0x85: {  	[sflag:s0] =	ssyncadd.tile.s32 @!p0 $0x1;
	_ =	shalt  }
.Lfunc_end2:
_tile_overlayer_lowered:
.L_overlay_start_2:
0x86: {  	(tag) =	ssettag $0x2  }
0x87: {  	s0 =	rddreg [dreg:$0x0];
	s2 =	stileid.u32  }
0x88: {  	s1 =	rddreg [dreg:$0x1];
	p0 =	sne.s32 s2, $0x0  }
0x89: {  	s3 =	rddreg [dreg:$0x2];
	[bflag:$0x3] =	sbarrier.arrive $0xFFFF;
	s2 =	simm.s32 @!p0 $0x1C0D  }
0x8a: {  	[timem:s3], [sflag:s2] =	dma.local @!p0 [hbm:s0], s1  }
0x8b: {  	s0 =	simm.s32 @!p0 $0xD  }
0x8c: {  	_ =	swait.ge @!p0 [sflag:s0], s1  }
0x8d: {  	s1 =	ssub.s32 @!p0 $0x0, s1;
	[sflag:s0] =	ssyncset.done @!p0 $0x0  }
0x8e: {  	[sflag:s0] =	ssyncadd.s32 @!p0 s1  }
0x8f: {  	[bflag:$0x3] =	sbarrier.arrive $0xFFFF  }
0x90: {  	_ =	shalt  }

</sc_bundles>
